<compile_context>
chip_gen: v7x
topology: tpu7x:2x2x1
jax: 0.10.2.dev20260603
libtpu: 0.0.44.dev20260713+nightly
codegen_flags: <defaults>
</compile_context>

<pallas_src>
import functools

import jax
import jax.numpy as jnp
from jax import lax
from jax.experimental import pallas as pl
from jax.experimental.pallas import tpu as pltpu
from jax.experimental.pallas import tpu_sc as plsc

NUM_FIELDS = 26
VOCAB_P1 = 100001
HIDDEN = 64
BATCH = 16384
LANES = 16

NPLANES = NUM_FIELDS * HIDDEN
_info = plsc.get_sparse_core_info()
NC = _info.num_cores
NS = _info.num_subcores
NW = NC * NS
PLANES_PER_W = NPLANES // NW
BCHUNK = 4096
NBCHUNK = BATCH // BCHUNK


def _embed_body(tab_hbm, x_hbm, out_hbm, plane_v, idx_v, outbuf_v,
                sem0, sem1, sem2, sem3):
    wid = lax.axis_index("s") * NC + lax.axis_index("c")
    r0 = wid * PLANES_PER_W

    def do_plane(r, prev_t):
        t = r // HIDDEN
        @pl.when(t != prev_t)
        def _():
            pltpu.sync_copy(x_hbm.at[t], idx_v)

        pltpu.make_async_copy(tab_hbm.at[r], plane_v, sem2).wait()

        def gather_chunk(c, slot):
            b0 = c * BCHUNK

            def grp(j, _):
                base_i = b0 + j * (16 * LANES)
                base_o = j * (16 * LANES)
                vs = [idx_v[pl.ds(base_i + k * LANES, LANES)]
                      for k in range(16)]
                gs = [plsc.load_gather(plane_v, [v]) for v in vs]
                for k in range(16):
                    outbuf_v[slot, pl.ds(base_o + k * LANES, LANES)] = gs[k]
                return 0

            lax.fori_loop(0, BCHUNK // (16 * LANES), grp, 0, unroll=1)

        gather_chunk(0, 0)
        pltpu.async_copy(outbuf_v.at[0], out_hbm.at[r, pl.ds(0, BCHUNK)], sem0)
        gather_chunk(1, 1)
        pltpu.async_copy(outbuf_v.at[1],
                         out_hbm.at[r, pl.ds(BCHUNK, BCHUNK)], sem1)
        pltpu.make_async_copy(outbuf_v.at[0],
                              out_hbm.at[r, pl.ds(0, BCHUNK)], sem0).wait()
        gather_chunk(2, 0)
        pltpu.async_copy(outbuf_v.at[0],
                         out_hbm.at[r, pl.ds(2 * BCHUNK, BCHUNK)], sem0)
        pltpu.make_async_copy(outbuf_v.at[1],
                              out_hbm.at[r, pl.ds(BCHUNK, BCHUNK)], sem1).wait()
        gather_chunk(3, 1)
        pltpu.async_copy(outbuf_v.at[1],
                         out_hbm.at[r, pl.ds(3 * BCHUNK, BCHUNK)], sem1)

        @pl.when(r + 1 < r0 + PLANES_PER_W)
        def _():
            pltpu.async_copy(tab_hbm.at[r + 1], plane_v, sem2)

        pltpu.make_async_copy(outbuf_v.at[0],
                              out_hbm.at[r, pl.ds(2 * BCHUNK, BCHUNK)],
                              sem0).wait()
        pltpu.make_async_copy(outbuf_v.at[1],
                              out_hbm.at[r, pl.ds(3 * BCHUNK, BCHUNK)],
                              sem1).wait()
        return t

    def body(i, prev_t):
        return do_plane(r0 + i, prev_t)

    pltpu.async_copy(tab_hbm.at[r0], plane_v, sem2)
    lax.fori_loop(0, PLANES_PER_W, body, jnp.int32(-1))


_embed = functools.partial(
    pl.kernel,
    out_type=jax.ShapeDtypeStruct((NPLANES, BATCH), jnp.float32),
    mesh=plsc.VectorSubcoreMesh(core_axis_name="c", subcore_axis_name="s"),
    scratch_types=[
        pltpu.VMEM((VOCAB_P1,), jnp.float32),
        pltpu.VMEM((BATCH,), jnp.int32),
        pltpu.VMEM((2, BCHUNK), jnp.float32),
        pltpu.SemaphoreType.DMA,
        pltpu.SemaphoreType.DMA,
        pltpu.SemaphoreType.DMA,
        pltpu.SemaphoreType.DMA,
    ],
    compiler_params=pltpu.CompilerParams(needs_layout_passes=False),
)(_embed_body)


def kernel(X_categorical, tables):
    tab2 = tables.transpose(0, 2, 1).reshape(NPLANES, VOCAB_P1)
    x2 = X_categorical.T
    out = _embed(tab2, x2)
    return out.reshape(NUM_FIELDS, HIDDEN, BATCH).transpose(2, 0, 1)

# --- scband reference (transcript-rebuilt; emitter-appended) ---
"""Pipeline reference for scband-categorical-embedder-52286931861659 (READ-ONLY COPY).

The authoritative reference and input builder live on the scoring server;
editing this copy changes nothing except your own understanding.
"""

import jax, jax.numpy as jnp
import numpy as np

NUM_FIELDS = 26
VOCAB = 100000
HIDDEN = 64
BATCH = 16384


def setup_inputs(seed: int = 0) -> dict:
    key = jax.random.key(seed)
    k1, k2 = jax.random.split(key)
    # X_categorical: int indices in [0, VOCAB) for each of the 26 fields
    X_categorical = jax.random.randint(k1, (BATCH, NUM_FIELDS), 0, VOCAB, dtype=jnp.int32)
    # One embedding table per field, each with (cat + 1) = VOCAB + 1 rows.
    # Stacked into a single [NUM_FIELDS, VOCAB+1, HIDDEN] tensor for convenience;
    # table i corresponds to nn.Embedding(categories[i] + 1, hidden_size).
    tables = jax.random.normal(k2, (NUM_FIELDS, VOCAB + 1, HIDDEN), dtype=jnp.float32) * 0.02
    return {"X_categorical": X_categorical, "tables": tables}


def reference(X_categorical, tables):
    # Faithful translation of:
    #   embedding_list = [table_i(X[:, [i]]) for i in range(num_category)]  # each [B, 1, H]
    #   embeddings = torch.cat(embedding_list, dim=1)                       # [B, num_category, H]
    # Per-field gather: for each (b, i), pick tables[i, X[b, i], :].
    field_ids = jnp.arange(NUM_FIELDS)[None, :]  # [1, NUM_FIELDS]
    embeddings = tables[field_ids, X_categorical]  # [B, NUM_FIELDS, HIDDEN]
    return embeddings

if __name__ == "__main__":
    import jax
    _d = setup_inputs()
    print(jax.jit(kernel)(*tuple(_d.values())))

</pallas_src>

<mosaic_0001>
#map = affine_map<(d0, d1) -> (0, 0)>
module attributes {stable_mosaic.version = 14 : i64} {
  func.func @_embed_body(%arg0: i32, %arg1: i32, %arg2: memref<1664x100001xf32, #tpu.memory_space<hbm>>, %arg3: memref<26x16384xi32, #tpu.memory_space<hbm>>, %arg4: memref<1664x16384xf32, #tpu.memory_space<hbm>>, %arg5: memref<100001xf32, #tpu.memory_space<vmem>>, %arg6: memref<16384xi32, #tpu.memory_space<vmem>>, %arg7: memref<2x4096xf32, #tpu.memory_space<vmem>>, %arg8: memref<!tpu.dma_semaphore, #tpu.memory_space<semaphore_mem>>, %arg9: memref<!tpu.dma_semaphore, #tpu.memory_space<semaphore_mem>>, %arg10: memref<!tpu.dma_semaphore, #tpu.memory_space<semaphore_mem>>, %arg11: memref<!tpu.dma_semaphore, #tpu.memory_space<semaphore_mem>>) attributes {dimension_semantics = [#tpu.dimension_semantics<core_parallel>, #tpu.dimension_semantics<subcore_parallel>], iteration_bounds = array<i64: 2, 16>, scalar_prefetch = 0 : i64, scratch_operands = 7 : i64, tpu.core_type = #tpu.core_type<sc_vector_subcore>, window_params = [{transform_indices = #map}, {transform_indices = #map}, {transform_indices = #map}]} {
    %mul3A = arith.constant 2 : i32
    %mul3A_0 = arith.muli %arg1, %mul3A : i32
    %add3A = arith.addi %mul3A_0, %arg0 : i32
    %mul3A_1 = arith.constant 52 : i32
    %mul3A_2 = arith.muli %add3A, %mul3A_1 : i32
    %dma_start3A = arith.constant 0 : i32
    %dma_start3A_3 = tpu.memref_slice %arg2[%mul3A_2, %dma_start3A] : memref<1664x100001xf32, #tpu.memory_space<hbm>> -> memref<1x100001xf32, #tpu.memory_space<hbm>>
    %dma_start3A_4 = tpu.memref_squeeze %dma_start3A_3 : memref<1x100001xf32, #tpu.memory_space<hbm>> -> memref<100001xf32, #tpu.memory_space<hbm>>
    %dma_start3A_5 = arith.constant 0 : i32
    %dma_start3A_6 = tpu.memref_slice %arg2[%mul3A_2, %dma_start3A_5] : memref<1664x100001xf32, #tpu.memory_space<hbm>> -> memref<1x100001xf32, #tpu.memory_space<hbm>>
    %dma_start3A_7 = tpu.memref_squeeze %dma_start3A_6 : memref<1x100001xf32, #tpu.memory_space<hbm>> -> memref<100001xf32, #tpu.memory_space<hbm>>
    tpu.enqueue_dma source(%dma_start3A_7 : memref<100001xf32, #tpu.memory_space<hbm>>) target(%arg5 : memref<100001xf32, #tpu.memory_space<vmem>>) target_semaphore(%arg10 : memref<!tpu.dma_semaphore, #tpu.memory_space<semaphore_mem>>)
    %scan3A = arith.constant -1 : i32
    %scan3A_8 = arith.constant 0 : i32
    %scan3A_9 = arith.constant 52 : i32
    %scan3A_10 = arith.addi %scan3A_8, %scan3A_9 : i32
    %scan3A_11 = arith.constant 1 : i32
    %scan3A_12 = scf.for %scan3A_14 = %scan3A_8 to %scan3A_10 step %scan3A_11 iter_args(%scan3A_15 = %scan3A) -> (i32)  : i32 {
      %add3A_16 = arith.addi %mul3A_2, %scan3A_14 : i32
      %jit3A = arith.constant 64 : i32
      %div3A = arith.divsi %add3A_16, %jit3A : i32
      %sign3A = arith.constant 0 : i32
      %sign3A_17 = arith.cmpi sgt, %add3A_16, %sign3A : i32
      %sign3A_18 = arith.extui %sign3A_17 : i1 to i32
      %sign3A_19 = arith.constant 0 : i32
      %sign3A_20 = arith.cmpi slt, %add3A_16, %sign3A_19 : i32
      %sign3A_21 = arith.extui %sign3A_20 : i1 to i32
      %sign3A_22 = arith.subi %sign3A_18, %sign3A_21 : i32
      %sign3A_23 = arith.constant 0 : i32
      %sign3A_24 = arith.cmpi sgt, %jit3A, %sign3A_23 : i32
      %sign3A_25 = arith.extui %sign3A_24 : i1 to i32
      %sign3A_26 = arith.constant 0 : i32
      %sign3A_27 = arith.cmpi slt, %jit3A, %sign3A_26 : i32
      %sign3A_28 = arith.extui %sign3A_27 : i1 to i32
      %sign3A_29 = arith.subi %sign3A_25, %sign3A_28 : i32
      %ne3A = arith.cmpi ne, %sign3A_22, %sign3A_29 : i32
      %rem3A = arith.remsi %add3A_16, %jit3A : i32
      %ne3A_30 = arith.constant 0 : i32
      %ne3A_31 = arith.cmpi ne, %rem3A, %ne3A_30 : i32
      %and3A = arith.andi %ne3A, %ne3A_31 : i1
      %sub3A = arith.constant 1 : i32
      %sub3A_32 = arith.subi %div3A, %sub3A : i32
      %select_n3A = arith.select %and3A, %sub3A_32, %div3A : i32
      %ne3A_33 = arith.cmpi ne, %select_n3A, %scan3A_15 : i32
      %convert_element_type3A = arith.extui %ne3A_33 : i1 to i32
      %cond3A = arith.constant 0 : i32
      %cond3A_34 = arith.cmpi ne, %convert_element_type3A, %cond3A : i32
      scf.if %cond3A_34 {
        "tpu.region"() ({
          %run_scoped3A = tpu.sem_alloc : memref<!tpu.dma_semaphore, #tpu.memory_space<semaphore_mem>>
          %dma_start3A_179 = arith.constant 0 : i32
          %dma_start3A_180 = tpu.memref_slice %arg3[%select_n3A, %dma_start3A_179] : memref<26x16384xi32, #tpu.memory_space<hbm>> -> memref<1x16384xi32, #tpu.memory_space<hbm>>
          %dma_start3A_181 = tpu.memref_squeeze %dma_start3A_180 : memref<1x16384xi32, #tpu.memory_space<hbm>> -> memref<16384xi32, #tpu.memory_space<hbm>>
          %dma_start3A_182 = arith.constant 0 : i32
          %dma_start3A_183 = tpu.memref_slice %arg3[%select_n3A, %dma_start3A_182] : memref<26x16384xi32, #tpu.memory_space<hbm>> -> memref<1x16384xi32, #tpu.memory_space<hbm>>
          %dma_start3A_184 = tpu.memref_squeeze %dma_start3A_183 : memref<1x16384xi32, #tpu.memory_space<hbm>> -> memref<16384xi32, #tpu.memory_space<hbm>>
          tpu.enqueue_dma source(%dma_start3A_184 : memref<16384xi32, #tpu.memory_space<hbm>>) target(%arg6 : memref<16384xi32, #tpu.memory_space<vmem>>) target_semaphore(%run_scoped3A : memref<!tpu.dma_semaphore, #tpu.memory_space<semaphore_mem>>)
          %dma_wait3A_185 = arith.constant 0 : i32
          %dma_wait3A_186 = tpu.memref_slice %arg3[%select_n3A, %dma_wait3A_185] : memref<26x16384xi32, #tpu.memory_space<hbm>> -> memref<1x16384xi32, #tpu.memory_space<hbm>>
          %dma_wait3A_187 = tpu.memref_squeeze %dma_wait3A_186 : memref<1x16384xi32, #tpu.memory_space<hbm>> -> memref<16384xi32, #tpu.memory_space<hbm>>
          %dma_wait3A_188 = arith.constant 0 : i32
          %dma_wait3A_189 = tpu.memref_slice %arg3[%select_n3A, %dma_wait3A_188] : memref<26x16384xi32, #tpu.memory_space<hbm>> -> memref<1x16384xi32, #tpu.memory_space<hbm>>
          %dma_wait3A_190 = tpu.memref_squeeze %dma_wait3A_189 : memref<1x16384xi32, #tpu.memory_space<hbm>> -> memref<16384xi32, #tpu.memory_space<hbm>>
          tpu.wait_dma2 semaphore(%run_scoped3A : memref<!tpu.dma_semaphore, #tpu.memory_space<semaphore_mem>>) src(%dma_wait3A_190 : memref<16384xi32, #tpu.memory_space<hbm>>) dst(%arg6 : memref<16384xi32, #tpu.memory_space<vmem>>)
          tpu.yield
        }) : () -> ()
      } else {
      }
      %dma_wait3A = arith.constant 0 : i32
      %dma_wait3A_35 = tpu.memref_slice %arg2[%add3A_16, %dma_wait3A] : memref<1664x100001xf32, #tpu.memory_space<hbm>> -> memref<1x100001xf32, #tpu.memory_space<hbm>>
      %dma_wait3A_36 = tpu.memref_squeeze %dma_wait3A_35 : memref<1x100001xf32, #tpu.memory_space<hbm>> -> memref<100001xf32, #tpu.memory_space<hbm>>
      %dma_wait3A_37 = arith.constant 0 : i32
      %dma_wait3A_38 = tpu.memref_slice %arg2[%add3A_16, %dma_wait3A_37] : memref<1664x100001xf32, #tpu.memory_space<hbm>> -> memref<1x100001xf32, #tpu.memory_space<hbm>>
      %dma_wait3A_39 = tpu.memref_squeeze %dma_wait3A_38 : memref<1x100001xf32, #tpu.memory_space<hbm>> -> memref<100001xf32, #tpu.memory_space<hbm>>
      tpu.wait_dma2 semaphore(%arg10 : memref<!tpu.dma_semaphore, #tpu.memory_space<semaphore_mem>>) src(%dma_wait3A_39 : memref<100001xf32, #tpu.memory_space<hbm>>) dst(%arg5 : memref<100001xf32, #tpu.memory_space<vmem>>)
      %scan3A_40 = arith.constant 0 : i32
      %scan3A_41 = arith.constant 0 : i32
      %scan3A_42 = arith.constant 16 : i32
      %scan3A_43 = arith.addi %scan3A_41, %scan3A_42 : i32
      %scan3A_44 = arith.constant 1 : i32
      %scan3A_45 = scf.for %scan3A_179 = %scan3A_41 to %scan3A_43 step %scan3A_44 iter_args(%scan3A_180 = %scan3A_40) -> (i32)  : i32 {
        %mul3A_181 = arith.constant 256 : i32
        %mul3A_182 = arith.muli %scan3A_179, %mul3A_181 : i32
        %add3A_183 = arith.constant 0 : i32
        %add3A_184 = arith.addi %add3A_183, %mul3A_182 : i32
        %mul3A_185 = arith.constant 256 : i32
        %mul3A_186 = arith.muli %scan3A_179, %mul3A_185 : i32
        %add3A_187 = arith.constant 0 : i32
        %add3A_188 = arith.addi %add3A_184, %add3A_187 : i32
        %get3A = arith.index_cast %add3A_188 : i32 to index
        %get3A_189 = tpu.vector_load %arg6[%get3A] {strides = array<i32>} : memref<16384xi32, #tpu.memory_space<vmem>>, vector<16xi32>,
        %add3A_190 = arith.constant 16 : i32
        %add3A_191 = arith.addi %add3A_184, %add3A_190 : i32
        %get3A_192 = arith.index_cast %add3A_191 : i32 to index
        %get3A_193 = tpu.vector_load %arg6[%get3A_192] {strides = array<i32>} : memref<16384xi32, #tpu.memory_space<vmem>>, vector<16xi32>,
        %add3A_194 = arith.constant 32 : i32
        %add3A_195 = arith.addi %add3A_184, %add3A_194 : i32
        %get3A_196 = arith.index_cast %add3A_195 : i32 to index
        %get3A_197 = tpu.vector_load %arg6[%get3A_196] {strides = array<i32>} : memref<16384xi32, #tpu.memory_space<vmem>>, vector<16xi32>,
        %add3A_198 = arith.constant 48 : i32
        %add3A_199 = arith.addi %add3A_184, %add3A_198 : i32
        %get3A_200 = arith.index_cast %add3A_199 : i32 to index
        %get3A_201 = tpu.vector_load %arg6[%get3A_200] {strides = array<i32>} : memref<16384xi32, #tpu.memory_space<vmem>>, vector<16xi32>,
        %add3A_202 = arith.constant 64 : i32
        %add3A_203 = arith.addi %add3A_184, %add3A_202 : i32
        %get3A_204 = arith.index_cast %add3A_203 : i32 to index
        %get3A_205 = tpu.vector_load %arg6[%get3A_204] {strides = array<i32>} : memref<16384xi32, #tpu.memory_space<vmem>>, vector<16xi32>,
        %add3A_206 = arith.constant 80 : i32
        %add3A_207 = arith.addi %add3A_184, %add3A_206 : i32
        %get3A_208 = arith.index_cast %add3A_207 : i32 to index
        %get3A_209 = tpu.vector_load %arg6[%get3A_208] {strides = array<i32>} : memref<16384xi32, #tpu.memory_space<vmem>>, vector<16xi32>,
        %add3A_210 = arith.constant 96 : i32
        %add3A_211 = arith.addi %add3A_184, %add3A_210 : i32
        %get3A_212 = arith.index_cast %add3A_211 : i32 to index
        %get3A_213 = tpu.vector_load %arg6[%get3A_212] {strides = array<i32>} : memref<16384xi32, #tpu.memory_space<vmem>>, vector<16xi32>,
        %add3A_214 = arith.constant 112 : i32
        %add3A_215 = arith.addi %add3A_184, %add3A_214 : i32
        %get3A_216 = arith.index_cast %add3A_215 : i32 to index
        %get3A_217 = tpu.vector_load %arg6[%get3A_216] {strides = array<i32>} : memref<16384xi32, #tpu.memory_space<vmem>>, vector<16xi32>,
        %add3A_218 = arith.constant 128 : i32
        %add3A_219 = arith.addi %add3A_184, %add3A_218 : i32
        %get3A_220 = arith.index_cast %add3A_219 : i32 to index
        %get3A_221 = tpu.vector_load %arg6[%get3A_220] {strides = array<i32>} : memref<16384xi32, #tpu.memory_space<vmem>>, vector<16xi32>,
        %add3A_222 = arith.constant 144 : i32
        %add3A_223 = arith.addi %add3A_184, %add3A_222 : i32
        %get3A_224 = arith.index_cast %add3A_223 : i32 to index
        %get3A_225 = tpu.vector_load %arg6[%get3A_224] {strides = array<i32>} : memref<16384xi32, #tpu.memory_space<vmem>>, vector<16xi32>,
        %add3A_226 = arith.constant 160 : i32
        %add3A_227 = arith.addi %add3A_184, %add3A_226 : i32
        %get3A_228 = arith.index_cast %add3A_227 : i32 to index
        %get3A_229 = tpu.vector_load %arg6[%get3A_228] {strides = array<i32>} : memref<16384xi32, #tpu.memory_space<vmem>>, vector<16xi32>,
        %add3A_230 = arith.constant 176 : i32
        %add3A_231 = arith.addi %add3A_184, %add3A_230 : i32
        %get3A_232 = arith.index_cast %add3A_231 : i32 to index
        %get3A_233 = tpu.vector_load %arg6[%get3A_232] {strides = array<i32>} : memref<16384xi32, #tpu.memory_space<vmem>>, vector<16xi32>,
        %add3A_234 = arith.constant 192 : i32
        %add3A_235 = arith.addi %add3A_184, %add3A_234 : i32
        %get3A_236 = arith.index_cast %add3A_235 : i32 to index
        %get3A_237 = tpu.vector_load %arg6[%get3A_236] {strides = array<i32>} : memref<16384xi32, #tpu.memory_space<vmem>>, vector<16xi32>,
        %add3A_238 = arith.constant 208 : i32
        %add3A_239 = arith.addi %add3A_184, %add3A_238 : i32
        %get3A_240 = arith.index_cast %add3A_239 : i32 to index
        %get3A_241 = tpu.vector_load %arg6[%get3A_240] {strides = array<i32>} : memref<16384xi32, #tpu.memory_space<vmem>>, vector<16xi32>,
        %add3A_242 = arith.constant 224 : i32
        %add3A_243 = arith.addi %add3A_184, %add3A_242 : i32
        %get3A_244 = arith.index_cast %add3A_243 : i32 to index
        %get3A_245 = tpu.vector_load %arg6[%get3A_244] {strides = array<i32>} : memref<16384xi32, #tpu.memory_space<vmem>>, vector<16xi32>,
        %add3A_246 = arith.constant 240 : i32
        %add3A_247 = arith.addi %add3A_184, %add3A_246 : i32
        %get3A_248 = arith.index_cast %add3A_247 : i32 to index
        %get3A_249 = tpu.vector_load %arg6[%get3A_248] {strides = array<i32>} : memref<16384xi32, #tpu.memory_space<vmem>>, vector<16xi32>,
        %gather3A = tpu.vector_load_idx %arg5[%get3A_189] : memref<100001xf32, #tpu.memory_space<vmem>>[vector<16xi32>], vector<16xf32>,
        %gather3A_250 = tpu.vector_load_idx %arg5[%get3A_193] : memref<100001xf32, #tpu.memory_space<vmem>>[vector<16xi32>], vector<16xf32>,
        %gather3A_251 = tpu.vector_load_idx %arg5[%get3A_197] : memref<100001xf32, #tpu.memory_space<vmem>>[vector<16xi32>], vector<16xf32>,
        %gather3A_252 = tpu.vector_load_idx %arg5[%get3A_201] : memref<100001xf32, #tpu.memory_space<vmem>>[vector<16xi32>], vector<16xf32>,
        %gather3A_253 = tpu.vector_load_idx %arg5[%get3A_205] : memref<100001xf32, #tpu.memory_space<vmem>>[vector<16xi32>], vector<16xf32>,
        %gather3A_254 = tpu.vector_load_idx %arg5[%get3A_209] : memref<100001xf32, #tpu.memory_space<vmem>>[vector<16xi32>], vector<16xf32>,
        %gather3A_255 = tpu.vector_load_idx %arg5[%get3A_213] : memref<100001xf32, #tpu.memory_space<vmem>>[vector<16xi32>], vector<16xf32>,
        %gather3A_256 = tpu.vector_load_idx %arg5[%get3A_217] : memref<100001xf32, #tpu.memory_space<vmem>>[vector<16xi32>], vector<16xf32>,
        %gather3A_257 = tpu.vector_load_idx %arg5[%get3A_221] : memref<100001xf32, #tpu.memory_space<vmem>>[vector<16xi32>], vector<16xf32>,
        %gather3A_258 = tpu.vector_load_idx %arg5[%get3A_225] : memref<100001xf32, #tpu.memory_space<vmem>>[vector<16xi32>], vector<16xf32>,
        %gather3A_259 = tpu.vector_load_idx %arg5[%get3A_229] : memref<100001xf32, #tpu.memory_space<vmem>>[vector<16xi32>], vector<16xf32>,
        %gather3A_260 = tpu.vector_load_idx %arg5[%get3A_233] : memref<100001xf32, #tpu.memory_space<vmem>>[vector<16xi32>], vector<16xf32>,
        %gather3A_261 = tpu.vector_load_idx %arg5[%get3A_237] : memref<100001xf32, #tpu.memory_space<vmem>>[vector<16xi32>], vector<16xf32>,
        %gather3A_262 = tpu.vector_load_idx %arg5[%get3A_241] : memref<100001xf32, #tpu.memory_space<vmem>>[vector<16xi32>], vector<16xf32>,
        %gather3A_263 = tpu.vector_load_idx %arg5[%get3A_245] : memref<100001xf32, #tpu.memory_space<vmem>>[vector<16xi32>], vector<16xf32>,
        %gather3A_264 = tpu.vector_load_idx %arg5[%get3A_249] : memref<100001xf32, #tpu.memory_space<vmem>>[vector<16xi32>], vector<16xf32>,
        %add3A_265 = arith.constant 0 : i32
        %add3A_266 = arith.addi %mul3A_186, %add3A_265 : i32
        %swap3A = arith.constant 0 : i32
        %swap3A_267 = arith.index_cast %swap3A : i32 to index
        %swap3A_268 = arith.index_cast %add3A_266 : i32 to index
        %swap3A_269 = tpu.vector_load %arg7[%swap3A_267, %swap3A_268] {strides = array<i32>} : memref<2x4096xf32, #tpu.memory_space<vmem>>, vector<16xf32>,
        tpu.vector_store %arg7[%swap3A_267, %swap3A_268], %gather3A {strides = array<i32>} : memref<2x4096xf32, #tpu.memory_space<vmem>>, vector<16xf32>,
        %add3A_270 = arith.constant 16 : i32
        %add3A_271 = arith.addi %mul3A_186, %add3A_270 : i32
        %swap3A_272 = arith.constant 0 : i32
        %swap3A_273 = arith.index_cast %swap3A_272 : i32 to index
        %swap3A_274 = arith.index_cast %add3A_271 : i32 to index
        %swap3A_275 = tpu.vector_load %arg7[%swap3A_273, %swap3A_274] {strides = array<i32>} : memref<2x4096xf32, #tpu.memory_space<vmem>>, vector<16xf32>,
        tpu.vector_store %arg7[%swap3A_273, %swap3A_274], %gather3A_250 {strides = array<i32>} : memref<2x4096xf32, #tpu.memory_space<vmem>>, vector<16xf32>,
        %add3A_276 = arith.constant 32 : i32
        %add3A_277 = arith.addi %mul3A_186, %add3A_276 : i32
        %swap3A_278 = arith.constant 0 : i32
        %swap3A_279 = arith.index_cast %swap3A_278 : i32 to index
        %swap3A_280 = arith.index_cast %add3A_277 : i32 to index
        %swap3A_281 = tpu.vector_load %arg7[%swap3A_279, %swap3A_280] {strides = array<i32>} : memref<2x4096xf32, #tpu.memory_space<vmem>>, vector<16xf32>,
        tpu.vector_store %arg7[%swap3A_279, %swap3A_280], %gather3A_251 {strides = array<i32>} : memref<2x4096xf32, #tpu.memory_space<vmem>>, vector<16xf32>,
        %add3A_282 = arith.constant 48 : i32
        %add3A_283 = arith.addi %mul3A_186, %add3A_282 : i32
        %swap3A_284 = arith.constant 0 : i32
        %swap3A_285 = arith.index_cast %swap3A_284 : i32 to index
        %swap3A_286 = arith.index_cast %add3A_283 : i32 to index
        %swap3A_287 = tpu.vector_load %arg7[%swap3A_285, %swap3A_286] {strides = array<i32>} : memref<2x4096xf32, #tpu.memory_space<vmem>>, vector<16xf32>,
        tpu.vector_store %arg7[%swap3A_285, %swap3A_286], %gather3A_252 {strides = array<i32>} : memref<2x4096xf32, #tpu.memory_space<vmem>>, vector<16xf32>,
        %add3A_288 = arith.constant 64 : i32
        %add3A_289 = arith.addi %mul3A_186, %add3A_288 : i32
        %swap3A_290 = arith.constant 0 : i32
        %swap3A_291 = arith.index_cast %swap3A_290 : i32 to index
        %swap3A_292 = arith.index_cast %add3A_289 : i32 to index
        %swap3A_293 = tpu.vector_load %arg7[%swap3A_291, %swap3A_292] {strides = array<i32>} : memref<2x4096xf32, #tpu.memory_space<vmem>>, vector<16xf32>,
        tpu.vector_store %arg7[%swap3A_291, %swap3A_292], %gather3A_253 {strides = array<i32>} : memref<2x4096xf32, #tpu.memory_space<vmem>>, vector<16xf32>,
        %add3A_294 = arith.constant 80 : i32
        %add3A_295 = arith.addi %mul3A_186, %add3A_294 : i32
        %swap3A_296 = arith.constant 0 : i32
        %swap3A_297 = arith.index_cast %swap3A_296 : i32 to index
        %swap3A_298 = arith.index_cast %add3A_295 : i32 to index
        %swap3A_299 = tpu.vector_load %arg7[%swap3A_297, %swap3A_298] {strides = array<i32>} : memref<2x4096xf32, #tpu.memory_space<vmem>>, vector<16xf32>,
        tpu.vector_store %arg7[%swap3A_297, %swap3A_298], %gather3A_254 {strides = array<i32>} : memref<2x4096xf32, #tpu.memory_space<vmem>>, vector<16xf32>,
        %add3A_300 = arith.constant 96 : i32
        %add3A_301 = arith.addi %mul3A_186, %add3A_300 : i32
        %swap3A_302 = arith.constant 0 : i32
        %swap3A_303 = arith.index_cast %swap3A_302 : i32 to index
        %swap3A_304 = arith.index_cast %add3A_301 : i32 to index
        %swap3A_305 = tpu.vector_load %arg7[%swap3A_303, %swap3A_304] {strides = array<i32>} : memref<2x4096xf32, #tpu.memory_space<vmem>>, vector<16xf32>,
        tpu.vector_store %arg7[%swap3A_303, %swap3A_304], %gather3A_255 {strides = array<i32>} : memref<2x4096xf32, #tpu.memory_space<vmem>>, vector<16xf32>,
        %add3A_306 = arith.constant 112 : i32
        %add3A_307 = arith.addi %mul3A_186, %add3A_306 : i32
        %swap3A_308 = arith.constant 0 : i32
        %swap3A_309 = arith.index_cast %swap3A_308 : i32 to index
        %swap3A_310 = arith.index_cast %add3A_307 : i32 to index
        %swap3A_311 = tpu.vector_load %arg7[%swap3A_309, %swap3A_310] {strides = array<i32>} : memref<2x4096xf32, #tpu.memory_space<vmem>>, vector<16xf32>,
        tpu.vector_store %arg7[%swap3A_309, %swap3A_310], %gather3A_256 {strides = array<i32>} : memref<2x4096xf32, #tpu.memory_space<vmem>>, vector<16xf32>,
        %add3A_312 = arith.constant 128 : i32
        %add3A_313 = arith.addi %mul3A_186, %add3A_312 : i32
        %swap3A_314 = arith.constant 0 : i32
        %swap3A_315 = arith.index_cast %swap3A_314 : i32 to index
        %swap3A_316 = arith.index_cast %add3A_313 : i32 to index
        %swap3A_317 = tpu.vector_load %arg7[%swap3A_315, %swap3A_316] {strides = array<i32>} : memref<2x4096xf32, #tpu.memory_space<vmem>>, vector<16xf32>,
        tpu.vector_store %arg7[%swap3A_315, %swap3A_316], %gather3A_257 {strides = array<i32>} : memref<2x4096xf32, #tpu.memory_space<vmem>>, vector<16xf32>,
        %add3A_318 = arith.constant 144 : i32
        %add3A_319 = arith.addi %mul3A_186, %add3A_318 : i32
        %swap3A_320 = arith.constant 0 : i32
        %swap3A_321 = arith.index_cast %swap3A_320 : i32 to index
        %swap3A_322 = arith.index_cast %add3A_319 : i32 to index
        %swap3A_323 = tpu.vector_load %arg7[%swap3A_321, %swap3A_322] {strides = array<i32>} : memref<2x4096xf32, #tpu.memory_space<vmem>>, vector<16xf32>,
        tpu.vector_store %arg7[%swap3A_321, %swap3A_322], %gather3A_258 {strides = array<i32>} : memref<2x4096xf32, #tpu.memory_space<vmem>>, vector<16xf32>,
        %add3A_324 = arith.constant 160 : i32
        %add3A_325 = arith.addi %mul3A_186, %add3A_324 : i32
        %swap3A_326 = arith.constant 0 : i32
        %swap3A_327 = arith.index_cast %swap3A_326 : i32 to index
        %swap3A_328 = arith.index_cast %add3A_325 : i32 to index
        %swap3A_329 = tpu.vector_load %arg7[%swap3A_327, %swap3A_328] {strides = array<i32>} : memref<2x4096xf32, #tpu.memory_space<vmem>>, vector<16xf32>,
        tpu.vector_store %arg7[%swap3A_327, %swap3A_328], %gather3A_259 {strides = array<i32>} : memref<2x4096xf32, #tpu.memory_space<vmem>>, vector<16xf32>,
        %add3A_330 = arith.constant 176 : i32
        %add3A_331 = arith.addi %mul3A_186, %add3A_330 : i32
        %swap3A_332 = arith.constant 0 : i32
        %swap3A_333 = arith.index_cast %swap3A_332 : i32 to index
        %swap3A_334 = arith.index_cast %add3A_331 : i32 to index
        %swap3A_335 = tpu.vector_load %arg7[%swap3A_333, %swap3A_334] {strides = array<i32>} : memref<2x4096xf32, #tpu.memory_space<vmem>>, vector<16xf32>,
        tpu.vector_store %arg7[%swap3A_333, %swap3A_334], %gather3A_260 {strides = array<i32>} : memref<2x4096xf32, #tpu.memory_space<vmem>>, vector<16xf32>,
        %add3A_336 = arith.constant 192 : i32
        %add3A_337 = arith.addi %mul3A_186, %add3A_336 : i32
        %swap3A_338 = arith.constant 0 : i32
        %swap3A_339 = arith.index_cast %swap3A_338 : i32 to index
        %swap3A_340 = arith.index_cast %add3A_337 : i32 to index
        %swap3A_341 = tpu.vector_load %arg7[%swap3A_339, %swap3A_340] {strides = array<i32>} : memref<2x4096xf32, #tpu.memory_space<vmem>>, vector<16xf32>,
        tpu.vector_store %arg7[%swap3A_339, %swap3A_340], %gather3A_261 {strides = array<i32>} : memref<2x4096xf32, #tpu.memory_space<vmem>>, vector<16xf32>,
        %add3A_342 = arith.constant 208 : i32
        %add3A_343 = arith.addi %mul3A_186, %add3A_342 : i32
        %swap3A_344 = arith.constant 0 : i32
        %swap3A_345 = arith.index_cast %swap3A_344 : i32 to index
        %swap3A_346 = arith.index_cast %add3A_343 : i32 to index
        %swap3A_347 = tpu.vector_load %arg7[%swap3A_345, %swap3A_346] {strides = array<i32>} : memref<2x4096xf32, #tpu.memory_space<vmem>>, vector<16xf32>,
        tpu.vector_store %arg7[%swap3A_345, %swap3A_346], %gather3A_262 {strides = array<i32>} : memref<2x4096xf32, #tpu.memory_space<vmem>>, vector<16xf32>,
        %add3A_348 = arith.constant 224 : i32
        %add3A_349 = arith.addi %mul3A_186, %add3A_348 : i32
        %swap3A_350 = arith.constant 0 : i32
        %swap3A_351 = arith.index_cast %swap3A_350 : i32 to index
        %swap3A_352 = arith.index_cast %add3A_349 : i32 to index
        %swap3A_353 = tpu.vector_load %arg7[%swap3A_351, %swap3A_352] {strides = array<i32>} : memref<2x4096xf32, #tpu.memory_space<vmem>>, vector<16xf32>,
        tpu.vector_store %arg7[%swap3A_351, %swap3A_352], %gather3A_263 {strides = array<i32>} : memref<2x4096xf32, #tpu.memory_space<vmem>>, vector<16xf32>,
        %add3A_354 = arith.constant 240 : i32
        %add3A_355 = arith.addi %mul3A_186, %add3A_354 : i32
        %swap3A_356 = arith.constant 0 : i32
        %swap3A_357 = arith.index_cast %swap3A_356 : i32 to index
        %swap3A_358 = arith.index_cast %add3A_355 : i32 to index
        %swap3A_359 = tpu.vector_load %arg7[%swap3A_357, %swap3A_358] {strides = array<i32>} : memref<2x4096xf32, #tpu.memory_space<vmem>>, vector<16xf32>,
        tpu.vector_store %arg7[%swap3A_357, %swap3A_358], %gather3A_264 {strides = array<i32>} : memref<2x4096xf32, #tpu.memory_space<vmem>>, vector<16xf32>,
        %scan3A_360 = arith.constant 0 : i32
        scf.yield %scan3A_360 : i32
      }
      %scan3A_46 = arith.constant 16 : i32
      %dma_start3A_47 = arith.constant 0 : i32
      %dma_start3A_48 = arith.constant 0 : i32
      %dma_start3A_49 = tpu.memref_slice %arg7[%dma_start3A_47, %dma_start3A_48] : memref<2x4096xf32, #tpu.memory_space<vmem>> -> memref<1x4096xf32, #tpu.memory_space<vmem>>
      %dma_start3A_50 = tpu.memref_squeeze %dma_start3A_49 : memref<1x4096xf32, #tpu.memory_space<vmem>> -> memref<4096xf32, #tpu.memory_space<vmem>>
      %dma_start3A_51 = arith.constant 0 : i32
      %dma_start3A_52 = tpu.memref_slice %arg4[%add3A_16, %dma_start3A_51] : memref<1664x16384xf32, #tpu.memory_space<hbm>> -> memref<1x4096xf32, #tpu.memory_space<hbm>>
      %dma_start3A_53 = tpu.memref_squeeze %dma_start3A_52 : memref<1x4096xf32, #tpu.memory_space<hbm>> -> memref<4096xf32, #tpu.memory_space<hbm>>
      %dma_start3A_54 = arith.constant 0 : i32
      %dma_start3A_55 = tpu.memref_slice %arg4[%add3A_16, %dma_start3A_54] : memref<1664x16384xf32, #tpu.memory_space<hbm>> -> memref<1x4096xf32, #tpu.memory_space<hbm>>
      %dma_start3A_56 = tpu.memref_squeeze %dma_start3A_55 : memref<1x4096xf32, #tpu.memory_space<hbm>> -> memref<4096xf32, #tpu.memory_space<hbm>>
      %dma_start3A_57 = arith.constant 0 : i32
      %dma_start3A_58 = tpu.memref_slice %arg7[%dma_start3A_47, %dma_start3A_57] : memref<2x4096xf32, #tpu.memory_space<vmem>> -> memref<1x4096xf32, #tpu.memory_space<vmem>>
      %dma_start3A_59 = tpu.memref_squeeze %dma_start3A_58 : memref<1x4096xf32, #tpu.memory_space<vmem>> -> memref<4096xf32, #tpu.memory_space<vmem>>
      tpu.enqueue_dma source(%dma_start3A_59 : memref<4096xf32, #tpu.memory_space<vmem>>) target(%dma_start3A_56 : memref<4096xf32, #tpu.memory_space<hbm>>) target_semaphore(%arg8 : memref<!tpu.dma_semaphore, #tpu.memory_space<semaphore_mem>>)
      %scan3A_60 = arith.constant 0 : i32
      %scan3A_61 = arith.constant 0 : i32
      %scan3A_62 = arith.constant 16 : i32
      %scan3A_63 = arith.addi %scan3A_61, %scan3A_62 : i32
      %scan3A_64 = arith.constant 1 : i32
      %scan3A_65 = scf.for %scan3A_179 = %scan3A_61 to %scan3A_63 step %scan3A_64 iter_args(%scan3A_180 = %scan3A_60) -> (i32)  : i32 {
        %mul3A_181 = arith.constant 256 : i32
        %mul3A_182 = arith.muli %scan3A_179, %mul3A_181 : i32
        %add3A_183 = arith.constant 4096 : i32
        %add3A_184 = arith.addi %add3A_183, %mul3A_182 : i32
        %mul3A_185 = arith.constant 256 : i32
        %mul3A_186 = arith.muli %scan3A_179, %mul3A_185 : i32
        %add3A_187 = arith.constant 0 : i32
        %add3A_188 = arith.addi %add3A_184, %add3A_187 : i32
        %get3A = arith.index_cast %add3A_188 : i32 to index
        %get3A_189 = tpu.vector_load %arg6[%get3A] {strides = array<i32>} : memref<16384xi32, #tpu.memory_space<vmem>>, vector<16xi32>,
        %add3A_190 = arith.constant 16 : i32
        %add3A_191 = arith.addi %add3A_184, %add3A_190 : i32
        %get3A_192 = arith.index_cast %add3A_191 : i32 to index
        %get3A_193 = tpu.vector_load %arg6[%get3A_192] {strides = array<i32>} : memref<16384xi32, #tpu.memory_space<vmem>>, vector<16xi32>,
        %add3A_194 = arith.constant 32 : i32
        %add3A_195 = arith.addi %add3A_184, %add3A_194 : i32
        %get3A_196 = arith.index_cast %add3A_195 : i32 to index
        %get3A_197 = tpu.vector_load %arg6[%get3A_196] {strides = array<i32>} : memref<16384xi32, #tpu.memory_space<vmem>>, vector<16xi32>,
        %add3A_198 = arith.constant 48 : i32
        %add3A_199 = arith.addi %add3A_184, %add3A_198 : i32
        %get3A_200 = arith.index_cast %add3A_199 : i32 to index
        %get3A_201 = tpu.vector_load %arg6[%get3A_200] {strides = array<i32>} : memref<16384xi32, #tpu.memory_space<vmem>>, vector<16xi32>,
        %add3A_202 = arith.constant 64 : i32
        %add3A_203 = arith.addi %add3A_184, %add3A_202 : i32
        %get3A_204 = arith.index_cast %add3A_203 : i32 to index
        %get3A_205 = tpu.vector_load %arg6[%get3A_204] {strides = array<i32>} : memref<16384xi32, #tpu.memory_space<vmem>>, vector<16xi32>,
        %add3A_206 = arith.constant 80 : i32
        %add3A_207 = arith.addi %add3A_184, %add3A_206 : i32
        %get3A_208 = arith.index_cast %add3A_207 : i32 to index
        %get3A_209 = tpu.vector_load %arg6[%get3A_208] {strides = array<i32>} : memref<16384xi32, #tpu.memory_space<vmem>>, vector<16xi32>,
        %add3A_210 = arith.constant 96 : i32
        %add3A_211 = arith.addi %add3A_184, %add3A_210 : i32
        %get3A_212 = arith.index_cast %add3A_211 : i32 to index
        %get3A_213 = tpu.vector_load %arg6[%get3A_212] {strides = array<i32>} : memref<16384xi32, #tpu.memory_space<vmem>>, vector<16xi32>,
        %add3A_214 = arith.constant 112 : i32
        %add3A_215 = arith.addi %add3A_184, %add3A_214 : i32
        %get3A_216 = arith.index_cast %add3A_215 : i32 to index
        %get3A_217 = tpu.vector_load %arg6[%get3A_216] {strides = array<i32>} : memref<16384xi32, #tpu.memory_space<vmem>>, vector<16xi32>,
        %add3A_218 = arith.constant 128 : i32
        %add3A_219 = arith.addi %add3A_184, %add3A_218 : i32
        %get3A_220 = arith.index_cast %add3A_219 : i32 to index
        %get3A_221 = tpu.vector_load %arg6[%get3A_220] {strides = array<i32>} : memref<16384xi32, #tpu.memory_space<vmem>>, vector<16xi32>,
        %add3A_222 = arith.constant 144 : i32
        %add3A_223 = arith.addi %add3A_184, %add3A_222 : i32
        %get3A_224 = arith.index_cast %add3A_223 : i32 to index
        %get3A_225 = tpu.vector_load %arg6[%get3A_224] {strides = array<i32>} : memref<16384xi32, #tpu.memory_space<vmem>>, vector<16xi32>,
        %add3A_226 = arith.constant 160 : i32
        %add3A_227 = arith.addi %add3A_184, %add3A_226 : i32
        %get3A_228 = arith.index_cast %add3A_227 : i32 to index
        %get3A_229 = tpu.vector_load %arg6[%get3A_228] {strides = array<i32>} : memref<16384xi32, #tpu.memory_space<vmem>>, vector<16xi32>,
        %add3A_230 = arith.constant 176 : i32
        %add3A_231 = arith.addi %add3A_184, %add3A_230 : i32
        %get3A_232 = arith.index_cast %add3A_231 : i32 to index
        %get3A_233 = tpu.vector_load %arg6[%get3A_232] {strides = array<i32>} : memref<16384xi32, #tpu.memory_space<vmem>>, vector<16xi32>,
        %add3A_234 = arith.constant 192 : i32
        %add3A_235 = arith.addi %add3A_184, %add3A_234 : i32
        %get3A_236 = arith.index_cast %add3A_235 : i32 to index
        %get3A_237 = tpu.vector_load %arg6[%get3A_236] {strides = array<i32>} : memref<16384xi32, #tpu.memory_space<vmem>>, vector<16xi32>,
        %add3A_238 = arith.constant 208 : i32
        %add3A_239 = arith.addi %add3A_184, %add3A_238 : i32
        %get3A_240 = arith.index_cast %add3A_239 : i32 to index
        %get3A_241 = tpu.vector_load %arg6[%get3A_240] {strides = array<i32>} : memref<16384xi32, #tpu.memory_space<vmem>>, vector<16xi32>,
        %add3A_242 = arith.constant 224 : i32
        %add3A_243 = arith.addi %add3A_184, %add3A_242 : i32
        %get3A_244 = arith.index_cast %add3A_243 : i32 to index
        %get3A_245 = tpu.vector_load %arg6[%get3A_244] {strides = array<i32>} : memref<16384xi32, #tpu.memory_space<vmem>>, vector<16xi32>,
        %add3A_246 = arith.constant 240 : i32
        %add3A_247 = arith.addi %add3A_184, %add3A_246 : i32
        %get3A_248 = arith.index_cast %add3A_247 : i32 to index
        %get3A_249 = tpu.vector_load %arg6[%get3A_248] {strides = array<i32>} : memref<16384xi32, #tpu.memory_space<vmem>>, vector<16xi32>,
        %gather3A = tpu.vector_load_idx %arg5[%get3A_189] : memref<100001xf32, #tpu.memory_space<vmem>>[vector<16xi32>], vector<16xf32>,
        %gather3A_250 = tpu.vector_load_idx %arg5[%get3A_193] : memref<100001xf32, #tpu.memory_space<vmem>>[vector<16xi32>], vector<16xf32>,
        %gather3A_251 = tpu.vector_load_idx %arg5[%get3A_197] : memref<100001xf32, #tpu.memory_space<vmem>>[vector<16xi32>], vector<16xf32>,
        %gather3A_252 = tpu.vector_load_idx %arg5[%get3A_201] : memref<100001xf32, #tpu.memory_space<vmem>>[vector<16xi32>], vector<16xf32>,
        %gather3A_253 = tpu.vector_load_idx %arg5[%get3A_205] : memref<100001xf32, #tpu.memory_space<vmem>>[vector<16xi32>], vector<16xf32>,
        %gather3A_254 = tpu.vector_load_idx %arg5[%get3A_209] : memref<100001xf32, #tpu.memory_space<vmem>>[vector<16xi32>], vector<16xf32>,
        %gather3A_255 = tpu.vector_load_idx %arg5[%get3A_213] : memref<100001xf32, #tpu.memory_space<vmem>>[vector<16xi32>], vector<16xf32>,
        %gather3A_256 = tpu.vector_load_idx %arg5[%get3A_217] : memref<100001xf32, #tpu.memory_space<vmem>>[vector<16xi32>], vector<16xf32>,
        %gather3A_257 = tpu.vector_load_idx %arg5[%get3A_221] : memref<100001xf32, #tpu.memory_space<vmem>>[vector<16xi32>], vector<16xf32>,
        %gather3A_258 = tpu.vector_load_idx %arg5[%get3A_225] : memref<100001xf32, #tpu.memory_space<vmem>>[vector<16xi32>], vector<16xf32>,
        %gather3A_259 = tpu.vector_load_idx %arg5[%get3A_229] : memref<100001xf32, #tpu.memory_space<vmem>>[vector<16xi32>], vector<16xf32>,
        %gather3A_260 = tpu.vector_load_idx %arg5[%get3A_233] : memref<100001xf32, #tpu.memory_space<vmem>>[vector<16xi32>], vector<16xf32>,
        %gather3A_261 = tpu.vector_load_idx %arg5[%get3A_237] : memref<100001xf32, #tpu.memory_space<vmem>>[vector<16xi32>], vector<16xf32>,
        %gather3A_262 = tpu.vector_load_idx %arg5[%get3A_241] : memref<100001xf32, #tpu.memory_space<vmem>>[vector<16xi32>], vector<16xf32>,
        %gather3A_263 = tpu.vector_load_idx %arg5[%get3A_245] : memref<100001xf32, #tpu.memory_space<vmem>>[vector<16xi32>], vector<16xf32>,
        %gather3A_264 = tpu.vector_load_idx %arg5[%get3A_249] : memref<100001xf32, #tpu.memory_space<vmem>>[vector<16xi32>], vector<16xf32>,
        %add3A_265 = arith.constant 0 : i32
        %add3A_266 = arith.addi %mul3A_186, %add3A_265 : i32
        %swap3A = arith.constant 1 : i32
        %swap3A_267 = arith.index_cast %swap3A : i32 to index
        %swap3A_268 = arith.index_cast %add3A_266 : i32 to index
        %swap3A_269 = tpu.vector_load %arg7[%swap3A_267, %swap3A_268] {strides = array<i32>} : memref<2x4096xf32, #tpu.memory_space<vmem>>, vector<16xf32>,
        tpu.vector_store %arg7[%swap3A_267, %swap3A_268], %gather3A {strides = array<i32>} : memref<2x4096xf32, #tpu.memory_space<vmem>>, vector<16xf32>,
        %add3A_270 = arith.constant 16 : i32
        %add3A_271 = arith.addi %mul3A_186, %add3A_270 : i32
        %swap3A_272 = arith.constant 1 : i32
        %swap3A_273 = arith.index_cast %swap3A_272 : i32 to index
        %swap3A_274 = arith.index_cast %add3A_271 : i32 to index
        %swap3A_275 = tpu.vector_load %arg7[%swap3A_273, %swap3A_274] {strides = array<i32>} : memref<2x4096xf32, #tpu.memory_space<vmem>>, vector<16xf32>,
        tpu.vector_store %arg7[%swap3A_273, %swap3A_274], %gather3A_250 {strides = array<i32>} : memref<2x4096xf32, #tpu.memory_space<vmem>>, vector<16xf32>,
        %add3A_276 = arith.constant 32 : i32
        %add3A_277 = arith.addi %mul3A_186, %add3A_276 : i32
        %swap3A_278 = arith.constant 1 : i32
        %swap3A_279 = arith.index_cast %swap3A_278 : i32 to index
        %swap3A_280 = arith.index_cast %add3A_277 : i32 to index
        %swap3A_281 = tpu.vector_load %arg7[%swap3A_279, %swap3A_280] {strides = array<i32>} : memref<2x4096xf32, #tpu.memory_space<vmem>>, vector<16xf32>,
        tpu.vector_store %arg7[%swap3A_279, %swap3A_280], %gather3A_251 {strides = array<i32>} : memref<2x4096xf32, #tpu.memory_space<vmem>>, vector<16xf32>,
        %add3A_282 = arith.constant 48 : i32
        %add3A_283 = arith.addi %mul3A_186, %add3A_282 : i32
        %swap3A_284 = arith.constant 1 : i32
        %swap3A_285 = arith.index_cast %swap3A_284 : i32 to index
        %swap3A_286 = arith.index_cast %add3A_283 : i32 to index
        %swap3A_287 = tpu.vector_load %arg7[%swap3A_285, %swap3A_286] {strides = array<i32>} : memref<2x4096xf32, #tpu.memory_space<vmem>>, vector<16xf32>,
        tpu.vector_store %arg7[%swap3A_285, %swap3A_286], %gather3A_252 {strides = array<i32>} : memref<2x4096xf32, #tpu.memory_space<vmem>>, vector<16xf32>,
        %add3A_288 = arith.constant 64 : i32
        %add3A_289 = arith.addi %mul3A_186, %add3A_288 : i32
        %swap3A_290 = arith.constant 1 : i32
        %swap3A_291 = arith.index_cast %swap3A_290 : i32 to index
        %swap3A_292 = arith.index_cast %add3A_289 : i32 to index
        %swap3A_293 = tpu.vector_load %arg7[%swap3A_291, %swap3A_292] {strides = array<i32>} : memref<2x4096xf32, #tpu.memory_space<vmem>>, vector<16xf32>,
        tpu.vector_store %arg7[%swap3A_291, %swap3A_292], %gather3A_253 {strides = array<i32>} : memref<2x4096xf32, #tpu.memory_space<vmem>>, vector<16xf32>,
        %add3A_294 = arith.constant 80 : i32
        %add3A_295 = arith.addi %mul3A_186, %add3A_294 : i32
        %swap3A_296 = arith.constant 1 : i32
        %swap3A_297 = arith.index_cast %swap3A_296 : i32 to index
        %swap3A_298 = arith.index_cast %add3A_295 : i32 to index
        %swap3A_299 = tpu.vector_load %arg7[%swap3A_297, %swap3A_298] {strides = array<i32>} : memref<2x4096xf32, #tpu.memory_space<vmem>>, vector<16xf32>,
        tpu.vector_store %arg7[%swap3A_297, %swap3A_298], %gather3A_254 {strides = array<i32>} : memref<2x4096xf32, #tpu.memory_space<vmem>>, vector<16xf32>,
        %add3A_300 = arith.constant 96 : i32
        %add3A_301 = arith.addi %mul3A_186, %add3A_300 : i32
        %swap3A_302 = arith.constant 1 : i32
        %swap3A_303 = arith.index_cast %swap3A_302 : i32 to index
        %swap3A_304 = arith.index_cast %add3A_301 : i32 to index
        %swap3A_305 = tpu.vector_load %arg7[%swap3A_303, %swap3A_304] {strides = array<i32>} : memref<2x4096xf32, #tpu.memory_space<vmem>>, vector<16xf32>,
        tpu.vector_store %arg7[%swap3A_303, %swap3A_304], %gather3A_255 {strides = array<i32>} : memref<2x4096xf32, #tpu.memory_space<vmem>>, vector<16xf32>,
        %add3A_306 = arith.constant 112 : i32
        %add3A_307 = arith.addi %mul3A_186, %add3A_306 : i32
        %swap3A_308 = arith.constant 1 : i32
        %swap3A_309 = arith.index_cast %swap3A_308 : i32 to index
        %swap3A_310 = arith.index_cast %add3A_307 : i32 to index
        %swap3A_311 = tpu.vector_load %arg7[%swap3A_309, %swap3A_310] {strides = array<i32>} : memref<2x4096xf32, #tpu.memory_space<vmem>>, vector<16xf32>,
        tpu.vector_store %arg7[%swap3A_309, %swap3A_310], %gather3A_256 {strides = array<i32>} : memref<2x4096xf32, #tpu.memory_space<vmem>>, vector<16xf32>,
        %add3A_312 = arith.constant 128 : i32
        %add3A_313 = arith.addi %mul3A_186, %add3A_312 : i32
        %swap3A_314 = arith.constant 1 : i32
        %swap3A_315 = arith.index_cast %swap3A_314 : i32 to index
        %swap3A_316 = arith.index_cast %add3A_313 : i32 to index
        %swap3A_317 = tpu.vector_load %arg7[%swap3A_315, %swap3A_316] {strides = array<i32>} : memref<2x4096xf32, #tpu.memory_space<vmem>>, vector<16xf32>,
        tpu.vector_store %arg7[%swap3A_315, %swap3A_316], %gather3A_257 {strides = array<i32>} : memref<2x4096xf32, #tpu.memory_space<vmem>>, vector<16xf32>,
        %add3A_318 = arith.constant 144 : i32
        %add3A_319 = arith.addi %mul3A_186, %add3A_318 : i32
        %swap3A_320 = arith.constant 1 : i32
        %swap3A_321 = arith.index_cast %swap3A_320 : i32 to index
        %swap3A_322 = arith.index_cast %add3A_319 : i32 to index
        %swap3A_323 = tpu.vector_load %arg7[%swap3A_321, %swap3A_322] {strides = array<i32>} : memref<2x4096xf32, #tpu.memory_space<vmem>>, vector<16xf32>,
        tpu.vector_store %arg7[%swap3A_321, %swap3A_322], %gather3A_258 {strides = array<i32>} : memref<2x4096xf32, #tpu.memory_space<vmem>>, vector<16xf32>,
        %add3A_324 = arith.constant 160 : i32
        %add3A_325 = arith.addi %mul3A_186, %add3A_324 : i32
        %swap3A_326 = arith.constant 1 : i32
        %swap3A_327 = arith.index_cast %swap3A_326 : i32 to index
        %swap3A_328 = arith.index_cast %add3A_325 : i32 to index
        %swap3A_329 = tpu.vector_load %arg7[%swap3A_327, %swap3A_328] {strides = array<i32>} : memref<2x4096xf32, #tpu.memory_space<vmem>>, vector<16xf32>,
        tpu.vector_store %arg7[%swap3A_327, %swap3A_328], %gather3A_259 {strides = array<i32>} : memref<2x4096xf32, #tpu.memory_space<vmem>>, vector<16xf32>,
        %add3A_330 = arith.constant 176 : i32
        %add3A_331 = arith.addi %mul3A_186, %add3A_330 : i32
        %swap3A_332 = arith.constant 1 : i32
        %swap3A_333 = arith.index_cast %swap3A_332 : i32 to index
        %swap3A_334 = arith.index_cast %add3A_331 : i32 to index
        %swap3A_335 = tpu.vector_load %arg7[%swap3A_333, %swap3A_334] {strides = array<i32>} : memref<2x4096xf32, #tpu.memory_space<vmem>>, vector<16xf32>,
        tpu.vector_store %arg7[%swap3A_333, %swap3A_334], %gather3A_260 {strides = array<i32>} : memref<2x4096xf32, #tpu.memory_space<vmem>>, vector<16xf32>,
        %add3A_336 = arith.constant 192 : i32
        %add3A_337 = arith.addi %mul3A_186, %add3A_336 : i32
        %swap3A_338 = arith.constant 1 : i32
        %swap3A_339 = arith.index_cast %swap3A_338 : i32 to index
        %swap3A_340 = arith.index_cast %add3A_337 : i32 to index
        %swap3A_341 = tpu.vector_load %arg7[%swap3A_339, %swap3A_340] {strides = array<i32>} : memref<2x4096xf32, #tpu.memory_space<vmem>>, vector<16xf32>,
        tpu.vector_store %arg7[%swap3A_339, %swap3A_340], %gather3A_261 {strides = array<i32>} : memref<2x4096xf32, #tpu.memory_space<vmem>>, vector<16xf32>,
        %add3A_342 = arith.constant 208 : i32
        %add3A_343 = arith.addi %mul3A_186, %add3A_342 : i32
        %swap3A_344 = arith.constant 1 : i32
        %swap3A_345 = arith.index_cast %swap3A_344 : i32 to index
        %swap3A_346 = arith.index_cast %add3A_343 : i32 to index
        %swap3A_347 = tpu.vector_load %arg7[%swap3A_345, %swap3A_346] {strides = array<i32>} : memref<2x4096xf32, #tpu.memory_space<vmem>>, vector<16xf32>,
        tpu.vector_store %arg7[%swap3A_345, %swap3A_346], %gather3A_262 {strides = array<i32>} : memref<2x4096xf32, #tpu.memory_space<vmem>>, vector<16xf32>,
        %add3A_348 = arith.constant 224 : i32
        %add3A_349 = arith.addi %mul3A_186, %add3A_348 : i32
        %swap3A_350 = arith.constant 1 : i32
        %swap3A_351 = arith.index_cast %swap3A_350 : i32 to index
        %swap3A_352 = arith.index_cast %add3A_349 : i32 to index
        %swap3A_353 = tpu.vector_load %arg7[%swap3A_351, %swap3A_352] {strides = array<i32>} : memref<2x4096xf32, #tpu.memory_space<vmem>>, vector<16xf32>,
        tpu.vector_store %arg7[%swap3A_351, %swap3A_352], %gather3A_263 {strides = array<i32>} : memref<2x4096xf32, #tpu.memory_space<vmem>>, vector<16xf32>,
        %add3A_354 = arith.constant 240 : i32
        %add3A_355 = arith.addi %mul3A_186, %add3A_354 : i32
        %swap3A_356 = arith.constant 1 : i32
        %swap3A_357 = arith.index_cast %swap3A_356 : i32 to index
        %swap3A_358 = arith.index_cast %add3A_355 : i32 to index
        %swap3A_359 = tpu.vector_load %arg7[%swap3A_357, %swap3A_358] {strides = array<i32>} : memref<2x4096xf32, #tpu.memory_space<vmem>>, vector<16xf32>,
        tpu.vector_store %arg7[%swap3A_357, %swap3A_358], %gather3A_264 {strides = array<i32>} : memref<2x4096xf32, #tpu.memory_space<vmem>>, vector<16xf32>,
        %scan3A_360 = arith.constant 0 : i32
        scf.yield %scan3A_360 : i32
      }
      %scan3A_66 = arith.constant 16 : i32
      %dma_start3A_67 = arith.constant 1 : i32
      %dma_start3A_68 = arith.constant 0 : i32
      %dma_start3A_69 = tpu.memref_slice %arg7[%dma_start3A_67, %dma_start3A_68] : memref<2x4096xf32, #tpu.memory_space<vmem>> -> memref<1x4096xf32, #tpu.memory_space<vmem>>
      %dma_start3A_70 = tpu.memref_squeeze %dma_start3A_69 : memref<1x4096xf32, #tpu.memory_space<vmem>> -> memref<4096xf32, #tpu.memory_space<vmem>>
      %dma_start3A_71 = arith.constant 4096 : i32
      %dma_start3A_72 = tpu.memref_slice %arg4[%add3A_16, %dma_start3A_71] : memref<1664x16384xf32, #tpu.memory_space<hbm>> -> memref<1x4096xf32, #tpu.memory_space<hbm>>
      %dma_start3A_73 = tpu.memref_squeeze %dma_start3A_72 : memref<1x4096xf32, #tpu.memory_space<hbm>> -> memref<4096xf32, #tpu.memory_space<hbm>>
      %dma_start3A_74 = arith.constant 4096 : i32
      %dma_start3A_75 = tpu.memref_slice %arg4[%add3A_16, %dma_start3A_74] : memref<1664x16384xf32, #tpu.memory_space<hbm>> -> memref<1x4096xf32, #tpu.memory_space<hbm>>
      %dma_start3A_76 = tpu.memref_squeeze %dma_start3A_75 : memref<1x4096xf32, #tpu.memory_space<hbm>> -> memref<4096xf32, #tpu.memory_space<hbm>>
      %dma_start3A_77 = arith.constant 0 : i32
      %dma_start3A_78 = tpu.memref_slice %arg7[%dma_start3A_67, %dma_start3A_77] : memref<2x4096xf32, #tpu.memory_space<vmem>> -> memref<1x4096xf32, #tpu.memory_space<vmem>>
      %dma_start3A_79 = tpu.memref_squeeze %dma_start3A_78 : memref<1x4096xf32, #tpu.memory_space<vmem>> -> memref<4096xf32, #tpu.memory_space<vmem>>
      tpu.enqueue_dma source(%dma_start3A_79 : memref<4096xf32, #tpu.memory_space<vmem>>) target(%dma_start3A_76 : memref<4096xf32, #tpu.memory_space<hbm>>) target_semaphore(%arg9 : memref<!tpu.dma_semaphore, #tpu.memory_space<semaphore_mem>>)
      %dma_wait3A_80 = arith.constant 0 : i32
      %dma_wait3A_81 = arith.constant 0 : i32
      %dma_wait3A_82 = tpu.memref_slice %arg7[%dma_wait3A_80, %dma_wait3A_81] : memref<2x4096xf32, #tpu.memory_space<vmem>> -> memref<1x4096xf32, #tpu.memory_space<vmem>>
      %dma_wait3A_83 = tpu.memref_squeeze %dma_wait3A_82 : memref<1x4096xf32, #tpu.memory_space<vmem>> -> memref<4096xf32, #tpu.memory_space<vmem>>
      %dma_wait3A_84 = arith.constant 0 : i32
      %dma_wait3A_85 = tpu.memref_slice %arg4[%add3A_16, %dma_wait3A_84] : memref<1664x16384xf32, #tpu.memory_space<hbm>> -> memref<1x4096xf32, #tpu.memory_space<hbm>>
      %dma_wait3A_86 = tpu.memref_squeeze %dma_wait3A_85 : memref<1x4096xf32, #tpu.memory_space<hbm>> -> memref<4096xf32, #tpu.memory_space<hbm>>
      %dma_wait3A_87 = arith.constant 0 : i32
      %dma_wait3A_88 = tpu.memref_slice %arg4[%add3A_16, %dma_wait3A_87] : memref<1664x16384xf32, #tpu.memory_space<hbm>> -> memref<1x4096xf32, #tpu.memory_space<hbm>>
      %dma_wait3A_89 = tpu.memref_squeeze %dma_wait3A_88 : memref<1x4096xf32, #tpu.memory_space<hbm>> -> memref<4096xf32, #tpu.memory_space<hbm>>
      %dma_wait3A_90 = arith.constant 0 : i32
      %dma_wait3A_91 = tpu.memref_slice %arg7[%dma_wait3A_80, %dma_wait3A_90] : memref<2x4096xf32, #tpu.memory_space<vmem>> -> memref<1x4096xf32, #tpu.memory_space<vmem>>
      %dma_wait3A_92 = tpu.memref_squeeze %dma_wait3A_91 : memref<1x4096xf32, #tpu.memory_space<vmem>> -> memref<4096xf32, #tpu.memory_space<vmem>>
      tpu.wait_dma2 semaphore(%arg8 : memref<!tpu.dma_semaphore, #tpu.memory_space<semaphore_mem>>) src(%dma_wait3A_92 : memref<4096xf32, #tpu.memory_space<vmem>>) dst(%dma_wait3A_89 : memref<4096xf32, #tpu.memory_space<hbm>>)
      %scan3A_93 = arith.constant 0 : i32
      %scan3A_94 = arith.constant 0 : i32
      %scan3A_95 = arith.constant 16 : i32
      %scan3A_96 = arith.addi %scan3A_94, %scan3A_95 : i32
      %scan3A_97 = arith.constant 1 : i32
      %scan3A_98 = scf.for %scan3A_179 = %scan3A_94 to %scan3A_96 step %scan3A_97 iter_args(%scan3A_180 = %scan3A_93) -> (i32)  : i32 {
        %mul3A_181 = arith.constant 256 : i32
        %mul3A_182 = arith.muli %scan3A_179, %mul3A_181 : i32
        %add3A_183 = arith.constant 8192 : i32
        %add3A_184 = arith.addi %add3A_183, %mul3A_182 : i32
        %mul3A_185 = arith.constant 256 : i32
        %mul3A_186 = arith.muli %scan3A_179, %mul3A_185 : i32
        %add3A_187 = arith.constant 0 : i32
        %add3A_188 = arith.addi %add3A_184, %add3A_187 : i32
        %get3A = arith.index_cast %add3A_188 : i32 to index
        %get3A_189 = tpu.vector_load %arg6[%get3A] {strides = array<i32>} : memref<16384xi32, #tpu.memory_space<vmem>>, vector<16xi32>,
        %add3A_190 = arith.constant 16 : i32
        %add3A_191 = arith.addi %add3A_184, %add3A_190 : i32
        %get3A_192 = arith.index_cast %add3A_191 : i32 to index
        %get3A_193 = tpu.vector_load %arg6[%get3A_192] {strides = array<i32>} : memref<16384xi32, #tpu.memory_space<vmem>>, vector<16xi32>,
        %add3A_194 = arith.constant 32 : i32
        %add3A_195 = arith.addi %add3A_184, %add3A_194 : i32
        %get3A_196 = arith.index_cast %add3A_195 : i32 to index
        %get3A_197 = tpu.vector_load %arg6[%get3A_196] {strides = array<i32>} : memref<16384xi32, #tpu.memory_space<vmem>>, vector<16xi32>,
        %add3A_198 = arith.constant 48 : i32
        %add3A_199 = arith.addi %add3A_184, %add3A_198 : i32
        %get3A_200 = arith.index_cast %add3A_199 : i32 to index
        %get3A_201 = tpu.vector_load %arg6[%get3A_200] {strides = array<i32>} : memref<16384xi32, #tpu.memory_space<vmem>>, vector<16xi32>,
        %add3A_202 = arith.constant 64 : i32
        %add3A_203 = arith.addi %add3A_184, %add3A_202 : i32
        %get3A_204 = arith.index_cast %add3A_203 : i32 to index
        %get3A_205 = tpu.vector_load %arg6[%get3A_204] {strides = array<i32>} : memref<16384xi32, #tpu.memory_space<vmem>>, vector<16xi32>,
        %add3A_206 = arith.constant 80 : i32
        %add3A_207 = arith.addi %add3A_184, %add3A_206 : i32
        %get3A_208 = arith.index_cast %add3A_207 : i32 to index
        %get3A_209 = tpu.vector_load %arg6[%get3A_208] {strides = array<i32>} : memref<16384xi32, #tpu.memory_space<vmem>>, vector<16xi32>,
        %add3A_210 = arith.constant 96 : i32
        %add3A_211 = arith.addi %add3A_184, %add3A_210 : i32
        %get3A_212 = arith.index_cast %add3A_211 : i32 to index
        %get3A_213 = tpu.vector_load %arg6[%get3A_212] {strides = array<i32>} : memref<16384xi32, #tpu.memory_space<vmem>>, vector<16xi32>,
        %add3A_214 = arith.constant 112 : i32
        %add3A_215 = arith.addi %add3A_184, %add3A_214 : i32
        %get3A_216 = arith.index_cast %add3A_215 : i32 to index
        %get3A_217 = tpu.vector_load %arg6[%get3A_216] {strides = array<i32>} : memref<16384xi32, #tpu.memory_space<vmem>>, vector<16xi32>,
        %add3A_218 = arith.constant 128 : i32
        %add3A_219 = arith.addi %add3A_184, %add3A_218 : i32
        %get3A_220 = arith.index_cast %add3A_219 : i32 to index
        %get3A_221 = tpu.vector_load %arg6[%get3A_220] {strides = array<i32>} : memref<16384xi32, #tpu.memory_space<vmem>>, vector<16xi32>,
        %add3A_222 = arith.constant 144 : i32
        %add3A_223 = arith.addi %add3A_184, %add3A_222 : i32
        %get3A_224 = arith.index_cast %add3A_223 : i32 to index
        %get3A_225 = tpu.vector_load %arg6[%get3A_224] {strides = array<i32>} : memref<16384xi32, #tpu.memory_space<vmem>>, vector<16xi32>,
        %add3A_226 = arith.constant 160 : i32
        %add3A_227 = arith.addi %add3A_184, %add3A_226 : i32
        %get3A_228 = arith.index_cast %add3A_227 : i32 to index
        %get3A_229 = tpu.vector_load %arg6[%get3A_228] {strides = array<i32>} : memref<16384xi32, #tpu.memory_space<vmem>>, vector<16xi32>,
        %add3A_230 = arith.constant 176 : i32
        %add3A_231 = arith.addi %add3A_184, %add3A_230 : i32
        %get3A_232 = arith.index_cast %add3A_231 : i32 to index
        %get3A_233 = tpu.vector_load %arg6[%get3A_232] {strides = array<i32>} : memref<16384xi32, #tpu.memory_space<vmem>>, vector<16xi32>,
        %add3A_234 = arith.constant 192 : i32
        %add3A_235 = arith.addi %add3A_184, %add3A_234 : i32
        %get3A_236 = arith.index_cast %add3A_235 : i32 to index
        %get3A_237 = tpu.vector_load %arg6[%get3A_236] {strides = array<i32>} : memref<16384xi32, #tpu.memory_space<vmem>>, vector<16xi32>,
        %add3A_238 = arith.constant 208 : i32
        %add3A_239 = arith.addi %add3A_184, %add3A_238 : i32
        %get3A_240 = arith.index_cast %add3A_239 : i32 to index
        %get3A_241 = tpu.vector_load %arg6[%get3A_240] {strides = array<i32>} : memref<16384xi32, #tpu.memory_space<vmem>>, vector<16xi32>,
        %add3A_242 = arith.constant 224 : i32
        %add3A_243 = arith.addi %add3A_184, %add3A_242 : i32
        %get3A_244 = arith.index_cast %add3A_243 : i32 to index
        %get3A_245 = tpu.vector_load %arg6[%get3A_244] {strides = array<i32>} : memref<16384xi32, #tpu.memory_space<vmem>>, vector<16xi32>,
        %add3A_246 = arith.constant 240 : i32
        %add3A_247 = arith.addi %add3A_184, %add3A_246 : i32
        %get3A_248 = arith.index_cast %add3A_247 : i32 to index
        %get3A_249 = tpu.vector_load %arg6[%get3A_248] {strides = array<i32>} : memref<16384xi32, #tpu.memory_space<vmem>>, vector<16xi32>,
        %gather3A = tpu.vector_load_idx %arg5[%get3A_189] : memref<100001xf32, #tpu.memory_space<vmem>>[vector<16xi32>], vector<16xf32>,
        %gather3A_250 = tpu.vector_load_idx %arg5[%get3A_193] : memref<100001xf32, #tpu.memory_space<vmem>>[vector<16xi32>], vector<16xf32>,
        %gather3A_251 = tpu.vector_load_idx %arg5[%get3A_197] : memref<100001xf32, #tpu.memory_space<vmem>>[vector<16xi32>], vector<16xf32>,
        %gather3A_252 = tpu.vector_load_idx %arg5[%get3A_201] : memref<100001xf32, #tpu.memory_space<vmem>>[vector<16xi32>], vector<16xf32>,
        %gather3A_253 = tpu.vector_load_idx %arg5[%get3A_205] : memref<100001xf32, #tpu.memory_space<vmem>>[vector<16xi32>], vector<16xf32>,
        %gather3A_254 = tpu.vector_load_idx %arg5[%get3A_209] : memref<100001xf32, #tpu.memory_space<vmem>>[vector<16xi32>], vector<16xf32>,
        %gather3A_255 = tpu.vector_load_idx %arg5[%get3A_213] : memref<100001xf32, #tpu.memory_space<vmem>>[vector<16xi32>], vector<16xf32>,
        %gather3A_256 = tpu.vector_load_idx %arg5[%get3A_217] : memref<100001xf32, #tpu.memory_space<vmem>>[vector<16xi32>], vector<16xf32>,
        %gather3A_257 = tpu.vector_load_idx %arg5[%get3A_221] : memref<100001xf32, #tpu.memory_space<vmem>>[vector<16xi32>], vector<16xf32>,
        %gather3A_258 = tpu.vector_load_idx %arg5[%get3A_225] : memref<100001xf32, #tpu.memory_space<vmem>>[vector<16xi32>], vector<16xf32>,
        %gather3A_259 = tpu.vector_load_idx %arg5[%get3A_229] : memref<100001xf32, #tpu.memory_space<vmem>>[vector<16xi32>], vector<16xf32>,
        %gather3A_260 = tpu.vector_load_idx %arg5[%get3A_233] : memref<100001xf32, #tpu.memory_space<vmem>>[vector<16xi32>], vector<16xf32>,
        %gather3A_261 = tpu.vector_load_idx %arg5[%get3A_237] : memref<100001xf32, #tpu.memory_space<vmem>>[vector<16xi32>], vector<16xf32>,
        %gather3A_262 = tpu.vector_load_idx %arg5[%get3A_241] : memref<100001xf32, #tpu.memory_space<vmem>>[vector<16xi32>], vector<16xf32>,
        %gather3A_263 = tpu.vector_load_idx %arg5[%get3A_245] : memref<100001xf32, #tpu.memory_space<vmem>>[vector<16xi32>], vector<16xf32>,
        %gather3A_264 = tpu.vector_load_idx %arg5[%get3A_249] : memref<100001xf32, #tpu.memory_space<vmem>>[vector<16xi32>], vector<16xf32>,
        %add3A_265 = arith.constant 0 : i32
        %add3A_266 = arith.addi %mul3A_186, %add3A_265 : i32
        %swap3A = arith.constant 0 : i32
        %swap3A_267 = arith.index_cast %swap3A : i32 to index
        %swap3A_268 = arith.index_cast %add3A_266 : i32 to index
        %swap3A_269 = tpu.vector_load %arg7[%swap3A_267, %swap3A_268] {strides = array<i32>} : memref<2x4096xf32, #tpu.memory_space<vmem>>, vector<16xf32>,
        tpu.vector_store %arg7[%swap3A_267, %swap3A_268], %gather3A {strides = array<i32>} : memref<2x4096xf32, #tpu.memory_space<vmem>>, vector<16xf32>,
        %add3A_270 = arith.constant 16 : i32
        %add3A_271 = arith.addi %mul3A_186, %add3A_270 : i32
        %swap3A_272 = arith.constant 0 : i32
        %swap3A_273 = arith.index_cast %swap3A_272 : i32 to index
        %swap3A_274 = arith.index_cast %add3A_271 : i32 to index
        %swap3A_275 = tpu.vector_load %arg7[%swap3A_273, %swap3A_274] {strides = array<i32>} : memref<2x4096xf32, #tpu.memory_space<vmem>>, vector<16xf32>,
        tpu.vector_store %arg7[%swap3A_273, %swap3A_274], %gather3A_250 {strides = array<i32>} : memref<2x4096xf32, #tpu.memory_space<vmem>>, vector<16xf32>,
        %add3A_276 = arith.constant 32 : i32
        %add3A_277 = arith.addi %mul3A_186, %add3A_276 : i32
        %swap3A_278 = arith.constant 0 : i32
        %swap3A_279 = arith.index_cast %swap3A_278 : i32 to index
        %swap3A_280 = arith.index_cast %add3A_277 : i32 to index
        %swap3A_281 = tpu.vector_load %arg7[%swap3A_279, %swap3A_280] {strides = array<i32>} : memref<2x4096xf32, #tpu.memory_space<vmem>>, vector<16xf32>,
        tpu.vector_store %arg7[%swap3A_279, %swap3A_280], %gather3A_251 {strides = array<i32>} : memref<2x4096xf32, #tpu.memory_space<vmem>>, vector<16xf32>,
        %add3A_282 = arith.constant 48 : i32
        %add3A_283 = arith.addi %mul3A_186, %add3A_282 : i32
        %swap3A_284 = arith.constant 0 : i32
        %swap3A_285 = arith.index_cast %swap3A_284 : i32 to index
        %swap3A_286 = arith.index_cast %add3A_283 : i32 to index
        %swap3A_287 = tpu.vector_load %arg7[%swap3A_285, %swap3A_286] {strides = array<i32>} : memref<2x4096xf32, #tpu.memory_space<vmem>>, vector<16xf32>,
        tpu.vector_store %arg7[%swap3A_285, %swap3A_286], %gather3A_252 {strides = array<i32>} : memref<2x4096xf32, #tpu.memory_space<vmem>>, vector<16xf32>,
        %add3A_288 = arith.constant 64 : i32
        %add3A_289 = arith.addi %mul3A_186, %add3A_288 : i32
        %swap3A_290 = arith.constant 0 : i32
        %swap3A_291 = arith.index_cast %swap3A_290 : i32 to index
        %swap3A_292 = arith.index_cast %add3A_289 : i32 to index
        %swap3A_293 = tpu.vector_load %arg7[%swap3A_291, %swap3A_292] {strides = array<i32>} : memref<2x4096xf32, #tpu.memory_space<vmem>>, vector<16xf32>,
        tpu.vector_store %arg7[%swap3A_291, %swap3A_292], %gather3A_253 {strides = array<i32>} : memref<2x4096xf32, #tpu.memory_space<vmem>>, vector<16xf32>,
        %add3A_294 = arith.constant 80 : i32
        %add3A_295 = arith.addi %mul3A_186, %add3A_294 : i32
        %swap3A_296 = arith.constant 0 : i32
        %swap3A_297 = arith.index_cast %swap3A_296 : i32 to index
        %swap3A_298 = arith.index_cast %add3A_295 : i32 to index
        %swap3A_299 = tpu.vector_load %arg7[%swap3A_297, %swap3A_298] {strides = array<i32>} : memref<2x4096xf32, #tpu.memory_space<vmem>>, vector<16xf32>,
        tpu.vector_store %arg7[%swap3A_297, %swap3A_298], %gather3A_254 {strides = array<i32>} : memref<2x4096xf32, #tpu.memory_space<vmem>>, vector<16xf32>,
        %add3A_300 = arith.constant 96 : i32
        %add3A_301 = arith.addi %mul3A_186, %add3A_300 : i32
        %swap3A_302 = arith.constant 0 : i32
        %swap3A_303 = arith.index_cast %swap3A_302 : i32 to index
        %swap3A_304 = arith.index_cast %add3A_301 : i32 to index
        %swap3A_305 = tpu.vector_load %arg7[%swap3A_303, %swap3A_304] {strides = array<i32>} : memref<2x4096xf32, #tpu.memory_space<vmem>>, vector<16xf32>,
        tpu.vector_store %arg7[%swap3A_303, %swap3A_304], %gather3A_255 {strides = array<i32>} : memref<2x4096xf32, #tpu.memory_space<vmem>>, vector<16xf32>,
        %add3A_306 = arith.constant 112 : i32
        %add3A_307 = arith.addi %mul3A_186, %add3A_306 : i32
        %swap3A_308 = arith.constant 0 : i32
        %swap3A_309 = arith.index_cast %swap3A_308 : i32 to index
        %swap3A_310 = arith.index_cast %add3A_307 : i32 to index
        %swap3A_311 = tpu.vector_load %arg7[%swap3A_309, %swap3A_310] {strides = array<i32>} : memref<2x4096xf32, #tpu.memory_space<vmem>>, vector<16xf32>,
        tpu.vector_store %arg7[%swap3A_309, %swap3A_310], %gather3A_256 {strides = array<i32>} : memref<2x4096xf32, #tpu.memory_space<vmem>>, vector<16xf32>,
        %add3A_312 = arith.constant 128 : i32
        %add3A_313 = arith.addi %mul3A_186, %add3A_312 : i32
        %swap3A_314 = arith.constant 0 : i32
        %swap3A_315 = arith.index_cast %swap3A_314 : i32 to index
        %swap3A_316 = arith.index_cast %add3A_313 : i32 to index
        %swap3A_317 = tpu.vector_load %arg7[%swap3A_315, %swap3A_316] {strides = array<i32>} : memref<2x4096xf32, #tpu.memory_space<vmem>>, vector<16xf32>,
        tpu.vector_store %arg7[%swap3A_315, %swap3A_316], %gather3A_257 {strides = array<i32>} : memref<2x4096xf32, #tpu.memory_space<vmem>>, vector<16xf32>,
        %add3A_318 = arith.constant 144 : i32
        %add3A_319 = arith.addi %mul3A_186, %add3A_318 : i32
        %swap3A_320 = arith.constant 0 : i32
        %swap3A_321 = arith.index_cast %swap3A_320 : i32 to index
        %swap3A_322 = arith.index_cast %add3A_319 : i32 to index
        %swap3A_323 = tpu.vector_load %arg7[%swap3A_321, %swap3A_322] {strides = array<i32>} : memref<2x4096xf32, #tpu.memory_space<vmem>>, vector<16xf32>,
        tpu.vector_store %arg7[%swap3A_321, %swap3A_322], %gather3A_258 {strides = array<i32>} : memref<2x4096xf32, #tpu.memory_space<vmem>>, vector<16xf32>,
        %add3A_324 = arith.constant 160 : i32
        %add3A_325 = arith.addi %mul3A_186, %add3A_324 : i32
        %swap3A_326 = arith.constant 0 : i32
        %swap3A_327 = arith.index_cast %swap3A_326 : i32 to index
        %swap3A_328 = arith.index_cast %add3A_325 : i32 to index
        %swap3A_329 = tpu.vector_load %arg7[%swap3A_327, %swap3A_328] {strides = array<i32>} : memref<2x4096xf32, #tpu.memory_space<vmem>>, vector<16xf32>,
        tpu.vector_store %arg7[%swap3A_327, %swap3A_328], %gather3A_259 {strides = array<i32>} : memref<2x4096xf32, #tpu.memory_space<vmem>>, vector<16xf32>,
        %add3A_330 = arith.constant 176 : i32
        %add3A_331 = arith.addi %mul3A_186, %add3A_330 : i32
        %swap3A_332 = arith.constant 0 : i32
        %swap3A_333 = arith.index_cast %swap3A_332 : i32 to index
        %swap3A_334 = arith.index_cast %add3A_331 : i32 to index
        %swap3A_335 = tpu.vector_load %arg7[%swap3A_333, %swap3A_334] {strides = array<i32>} : memref<2x4096xf32, #tpu.memory_space<vmem>>, vector<16xf32>,
        tpu.vector_store %arg7[%swap3A_333, %swap3A_334], %gather3A_260 {strides = array<i32>} : memref<2x4096xf32, #tpu.memory_space<vmem>>, vector<16xf32>,
        %add3A_336 = arith.constant 192 : i32
        %add3A_337 = arith.addi %mul3A_186, %add3A_336 : i32
        %swap3A_338 = arith.constant 0 : i32
        %swap3A_339 = arith.index_cast %swap3A_338 : i32 to index
        %swap3A_340 = arith.index_cast %add3A_337 : i32 to index
        %swap3A_341 = tpu.vector_load %arg7[%swap3A_339, %swap3A_340] {strides = array<i32>} : memref<2x4096xf32, #tpu.memory_space<vmem>>, vector<16xf32>,
        tpu.vector_store %arg7[%swap3A_339, %swap3A_340], %gather3A_261 {strides = array<i32>} : memref<2x4096xf32, #tpu.memory_space<vmem>>, vector<16xf32>,
        %add3A_342 = arith.constant 208 : i32
        %add3A_343 = arith.addi %mul3A_186, %add3A_342 : i32
        %swap3A_344 = arith.constant 0 : i32
        %swap3A_345 = arith.index_cast %swap3A_344 : i32 to index
        %swap3A_346 = arith.index_cast %add3A_343 : i32 to index
        %swap3A_347 = tpu.vector_load %arg7[%swap3A_345, %swap3A_346] {strides = array<i32>} : memref<2x4096xf32, #tpu.memory_space<vmem>>, vector<16xf32>,
        tpu.vector_store %arg7[%swap3A_345, %swap3A_346], %gather3A_262 {strides = array<i32>} : memref<2x4096xf32, #tpu.memory_space<vmem>>, vector<16xf32>,
        %add3A_348 = arith.constant 224 : i32
        %add3A_349 = arith.addi %mul3A_186, %add3A_348 : i32
        %swap3A_350 = arith.constant 0 : i32
        %swap3A_351 = arith.index_cast %swap3A_350 : i32 to index
        %swap3A_352 = arith.index_cast %add3A_349 : i32 to index
        %swap3A_353 = tpu.vector_load %arg7[%swap3A_351, %swap3A_352] {strides = array<i32>} : memref<2x4096xf32, #tpu.memory_space<vmem>>, vector<16xf32>,
        tpu.vector_store %arg7[%swap3A_351, %swap3A_352], %gather3A_263 {strides = array<i32>} : memref<2x4096xf32, #tpu.memory_space<vmem>>, vector<16xf32>,
        %add3A_354 = arith.constant 240 : i32
        %add3A_355 = arith.addi %mul3A_186, %add3A_354 : i32
        %swap3A_356 = arith.constant 0 : i32
        %swap3A_357 = arith.index_cast %swap3A_356 : i32 to index
        %swap3A_358 = arith.index_cast %add3A_355 : i32 to index
        %swap3A_359 = tpu.vector_load %arg7[%swap3A_357, %swap3A_358] {strides = array<i32>} : memref<2x4096xf32, #tpu.memory_space<vmem>>, vector<16xf32>,
        tpu.vector_store %arg7[%swap3A_357, %swap3A_358], %gather3A_264 {strides = array<i32>} : memref<2x4096xf32, #tpu.memory_space<vmem>>, vector<16xf32>,
        %scan3A_360 = arith.constant 0 : i32
        scf.yield %scan3A_360 : i32
      }
      %scan3A_99 = arith.constant 16 : i32
      %dma_start3A_100 = arith.constant 0 : i32
      %dma_start3A_101 = arith.constant 0 : i32
      %dma_start3A_102 = tpu.memref_slice %arg7[%dma_start3A_100, %dma_start3A_101] : memref<2x4096xf32, #tpu.memory_space<vmem>> -> memref<1x4096xf32, #tpu.memory_space<vmem>>
      %dma_start3A_103 = tpu.memref_squeeze %dma_start3A_102 : memref<1x4096xf32, #tpu.memory_space<vmem>> -> memref<4096xf32, #tpu.memory_space<vmem>>
      %dma_start3A_104 = arith.constant 8192 : i32
      %dma_start3A_105 = tpu.memref_slice %arg4[%add3A_16, %dma_start3A_104] : memref<1664x16384xf32, #tpu.memory_space<hbm>> -> memref<1x4096xf32, #tpu.memory_space<hbm>>
      %dma_start3A_106 = tpu.memref_squeeze %dma_start3A_105 : memref<1x4096xf32, #tpu.memory_space<hbm>> -> memref<4096xf32, #tpu.memory_space<hbm>>
      %dma_start3A_107 = arith.constant 8192 : i32
      %dma_start3A_108 = tpu.memref_slice %arg4[%add3A_16, %dma_start3A_107] : memref<1664x16384xf32, #tpu.memory_space<hbm>> -> memref<1x4096xf32, #tpu.memory_space<hbm>>
      %dma_start3A_109 = tpu.memref_squeeze %dma_start3A_108 : memref<1x4096xf32, #tpu.memory_space<hbm>> -> memref<4096xf32, #tpu.memory_space<hbm>>
      %dma_start3A_110 = arith.constant 0 : i32
      %dma_start3A_111 = tpu.memref_slice %arg7[%dma_start3A_100, %dma_start3A_110] : memref<2x4096xf32, #tpu.memory_space<vmem>> -> memref<1x4096xf32, #tpu.memory_space<vmem>>
      %dma_start3A_112 = tpu.memref_squeeze %dma_start3A_111 : memref<1x4096xf32, #tpu.memory_space<vmem>> -> memref<4096xf32, #tpu.memory_space<vmem>>
      tpu.enqueue_dma source(%dma_start3A_112 : memref<4096xf32, #tpu.memory_space<vmem>>) target(%dma_start3A_109 : memref<4096xf32, #tpu.memory_space<hbm>>) target_semaphore(%arg8 : memref<!tpu.dma_semaphore, #tpu.memory_space<semaphore_mem>>)
      %dma_wait3A_113 = arith.constant 1 : i32
      %dma_wait3A_114 = arith.constant 0 : i32
      %dma_wait3A_115 = tpu.memref_slice %arg7[%dma_wait3A_113, %dma_wait3A_114] : memref<2x4096xf32, #tpu.memory_space<vmem>> -> memref<1x4096xf32, #tpu.memory_space<vmem>>
      %dma_wait3A_116 = tpu.memref_squeeze %dma_wait3A_115 : memref<1x4096xf32, #tpu.memory_space<vmem>> -> memref<4096xf32, #tpu.memory_space<vmem>>
      %dma_wait3A_117 = arith.constant 4096 : i32
      %dma_wait3A_118 = tpu.memref_slice %arg4[%add3A_16, %dma_wait3A_117] : memref<1664x16384xf32, #tpu.memory_space<hbm>> -> memref<1x4096xf32, #tpu.memory_space<hbm>>
      %dma_wait3A_119 = tpu.memref_squeeze %dma_wait3A_118 : memref<1x4096xf32, #tpu.memory_space<hbm>> -> memref<4096xf32, #tpu.memory_space<hbm>>
      %dma_wait3A_120 = arith.constant 4096 : i32
      %dma_wait3A_121 = tpu.memref_slice %arg4[%add3A_16, %dma_wait3A_120] : memref<1664x16384xf32, #tpu.memory_space<hbm>> -> memref<1x4096xf32, #tpu.memory_space<hbm>>
      %dma_wait3A_122 = tpu.memref_squeeze %dma_wait3A_121 : memref<1x4096xf32, #tpu.memory_space<hbm>> -> memref<4096xf32, #tpu.memory_space<hbm>>
      %dma_wait3A_123 = arith.constant 0 : i32
      %dma_wait3A_124 = tpu.memref_slice %arg7[%dma_wait3A_113, %dma_wait3A_123] : memref<2x4096xf32, #tpu.memory_space<vmem>> -> memref<1x4096xf32, #tpu.memory_space<vmem>>
      %dma_wait3A_125 = tpu.memref_squeeze %dma_wait3A_124 : memref<1x4096xf32, #tpu.memory_space<vmem>> -> memref<4096xf32, #tpu.memory_space<vmem>>
      tpu.wait_dma2 semaphore(%arg9 : memref<!tpu.dma_semaphore, #tpu.memory_space<semaphore_mem>>) src(%dma_wait3A_125 : memref<4096xf32, #tpu.memory_space<vmem>>) dst(%dma_wait3A_122 : memref<4096xf32, #tpu.memory_space<hbm>>)
      %scan3A_126 = arith.constant 0 : i32
      %scan3A_127 = arith.constant 0 : i32
      %scan3A_128 = arith.constant 16 : i32
      %scan3A_129 = arith.addi %scan3A_127, %scan3A_128 : i32
      %scan3A_130 = arith.constant 1 : i32
      %scan3A_131 = scf.for %scan3A_179 = %scan3A_127 to %scan3A_129 step %scan3A_130 iter_args(%scan3A_180 = %scan3A_126) -> (i32)  : i32 {
        %mul3A_181 = arith.constant 256 : i32
        %mul3A_182 = arith.muli %scan3A_179, %mul3A_181 : i32
        %add3A_183 = arith.constant 12288 : i32
        %add3A_184 = arith.addi %add3A_183, %mul3A_182 : i32
        %mul3A_185 = arith.constant 256 : i32
        %mul3A_186 = arith.muli %scan3A_179, %mul3A_185 : i32
        %add3A_187 = arith.constant 0 : i32
        %add3A_188 = arith.addi %add3A_184, %add3A_187 : i32
        %get3A = arith.index_cast %add3A_188 : i32 to index
        %get3A_189 = tpu.vector_load %arg6[%get3A] {strides = array<i32>} : memref<16384xi32, #tpu.memory_space<vmem>>, vector<16xi32>,
        %add3A_190 = arith.constant 16 : i32
        %add3A_191 = arith.addi %add3A_184, %add3A_190 : i32
        %get3A_192 = arith.index_cast %add3A_191 : i32 to index
        %get3A_193 = tpu.vector_load %arg6[%get3A_192] {strides = array<i32>} : memref<16384xi32, #tpu.memory_space<vmem>>, vector<16xi32>,
        %add3A_194 = arith.constant 32 : i32
        %add3A_195 = arith.addi %add3A_184, %add3A_194 : i32
        %get3A_196 = arith.index_cast %add3A_195 : i32 to index
        %get3A_197 = tpu.vector_load %arg6[%get3A_196] {strides = array<i32>} : memref<16384xi32, #tpu.memory_space<vmem>>, vector<16xi32>,
        %add3A_198 = arith.constant 48 : i32
        %add3A_199 = arith.addi %add3A_184, %add3A_198 : i32
        %get3A_200 = arith.index_cast %add3A_199 : i32 to index
        %get3A_201 = tpu.vector_load %arg6[%get3A_200] {strides = array<i32>} : memref<16384xi32, #tpu.memory_space<vmem>>, vector<16xi32>,
        %add3A_202 = arith.constant 64 : i32
        %add3A_203 = arith.addi %add3A_184, %add3A_202 : i32
        %get3A_204 = arith.index_cast %add3A_203 : i32 to index
        %get3A_205 = tpu.vector_load %arg6[%get3A_204] {strides = array<i32>} : memref<16384xi32, #tpu.memory_space<vmem>>, vector<16xi32>,
        %add3A_206 = arith.constant 80 : i32
        %add3A_207 = arith.addi %add3A_184, %add3A_206 : i32
        %get3A_208 = arith.index_cast %add3A_207 : i32 to index
        %get3A_209 = tpu.vector_load %arg6[%get3A_208] {strides = array<i32>} : memref<16384xi32, #tpu.memory_space<vmem>>, vector<16xi32>,
        %add3A_210 = arith.constant 96 : i32
        %add3A_211 = arith.addi %add3A_184, %add3A_210 : i32
        %get3A_212 = arith.index_cast %add3A_211 : i32 to index
        %get3A_213 = tpu.vector_load %arg6[%get3A_212] {strides = array<i32>} : memref<16384xi32, #tpu.memory_space<vmem>>, vector<16xi32>,
        %add3A_214 = arith.constant 112 : i32
        %add3A_215 = arith.addi %add3A_184, %add3A_214 : i32
        %get3A_216 = arith.index_cast %add3A_215 : i32 to index
        %get3A_217 = tpu.vector_load %arg6[%get3A_216] {strides = array<i32>} : memref<16384xi32, #tpu.memory_space<vmem>>, vector<16xi32>,
        %add3A_218 = arith.constant 128 : i32
        %add3A_219 = arith.addi %add3A_184, %add3A_218 : i32
        %get3A_220 = arith.index_cast %add3A_219 : i32 to index
        %get3A_221 = tpu.vector_load %arg6[%get3A_220] {strides = array<i32>} : memref<16384xi32, #tpu.memory_space<vmem>>, vector<16xi32>,
        %add3A_222 = arith.constant 144 : i32
        %add3A_223 = arith.addi %add3A_184, %add3A_222 : i32
        %get3A_224 = arith.index_cast %add3A_223 : i32 to index
        %get3A_225 = tpu.vector_load %arg6[%get3A_224] {strides = array<i32>} : memref<16384xi32, #tpu.memory_space<vmem>>, vector<16xi32>,
        %add3A_226 = arith.constant 160 : i32
        %add3A_227 = arith.addi %add3A_184, %add3A_226 : i32
        %get3A_228 = arith.index_cast %add3A_227 : i32 to index
        %get3A_229 = tpu.vector_load %arg6[%get3A_228] {strides = array<i32>} : memref<16384xi32, #tpu.memory_space<vmem>>, vector<16xi32>,
        %add3A_230 = arith.constant 176 : i32
        %add3A_231 = arith.addi %add3A_184, %add3A_230 : i32
        %get3A_232 = arith.index_cast %add3A_231 : i32 to index
        %get3A_233 = tpu.vector_load %arg6[%get3A_232] {strides = array<i32>} : memref<16384xi32, #tpu.memory_space<vmem>>, vector<16xi32>,
        %add3A_234 = arith.constant 192 : i32
        %add3A_235 = arith.addi %add3A_184, %add3A_234 : i32
        %get3A_236 = arith.index_cast %add3A_235 : i32 to index
        %get3A_237 = tpu.vector_load %arg6[%get3A_236] {strides = array<i32>} : memref<16384xi32, #tpu.memory_space<vmem>>, vector<16xi32>,
        %add3A_238 = arith.constant 208 : i32
        %add3A_239 = arith.addi %add3A_184, %add3A_238 : i32
        %get3A_240 = arith.index_cast %add3A_239 : i32 to index
        %get3A_241 = tpu.vector_load %arg6[%get3A_240] {strides = array<i32>} : memref<16384xi32, #tpu.memory_space<vmem>>, vector<16xi32>,
        %add3A_242 = arith.constant 224 : i32
        %add3A_243 = arith.addi %add3A_184, %add3A_242 : i32
        %get3A_244 = arith.index_cast %add3A_243 : i32 to index
        %get3A_245 = tpu.vector_load %arg6[%get3A_244] {strides = array<i32>} : memref<16384xi32, #tpu.memory_space<vmem>>, vector<16xi32>,
        %add3A_246 = arith.constant 240 : i32
        %add3A_247 = arith.addi %add3A_184, %add3A_246 : i32
        %get3A_248 = arith.index_cast %add3A_247 : i32 to index
        %get3A_249 = tpu.vector_load %arg6[%get3A_248] {strides = array<i32>} : memref<16384xi32, #tpu.memory_space<vmem>>, vector<16xi32>,
        %gather3A = tpu.vector_load_idx %arg5[%get3A_189] : memref<100001xf32, #tpu.memory_space<vmem>>[vector<16xi32>], vector<16xf32>,
        %gather3A_250 = tpu.vector_load_idx %arg5[%get3A_193] : memref<100001xf32, #tpu.memory_space<vmem>>[vector<16xi32>], vector<16xf32>,
        %gather3A_251 = tpu.vector_load_idx %arg5[%get3A_197] : memref<100001xf32, #tpu.memory_space<vmem>>[vector<16xi32>], vector<16xf32>,
        %gather3A_252 = tpu.vector_load_idx %arg5[%get3A_201] : memref<100001xf32, #tpu.memory_space<vmem>>[vector<16xi32>], vector<16xf32>,
        %gather3A_253 = tpu.vector_load_idx %arg5[%get3A_205] : memref<100001xf32, #tpu.memory_space<vmem>>[vector<16xi32>], vector<16xf32>,
        %gather3A_254 = tpu.vector_load_idx %arg5[%get3A_209] : memref<100001xf32, #tpu.memory_space<vmem>>[vector<16xi32>], vector<16xf32>,
        %gather3A_255 = tpu.vector_load_idx %arg5[%get3A_213] : memref<100001xf32, #tpu.memory_space<vmem>>[vector<16xi32>], vector<16xf32>,
        %gather3A_256 = tpu.vector_load_idx %arg5[%get3A_217] : memref<100001xf32, #tpu.memory_space<vmem>>[vector<16xi32>], vector<16xf32>,
        %gather3A_257 = tpu.vector_load_idx %arg5[%get3A_221] : memref<100001xf32, #tpu.memory_space<vmem>>[vector<16xi32>], vector<16xf32>,
        %gather3A_258 = tpu.vector_load_idx %arg5[%get3A_225] : memref<100001xf32, #tpu.memory_space<vmem>>[vector<16xi32>], vector<16xf32>,
        %gather3A_259 = tpu.vector_load_idx %arg5[%get3A_229] : memref<100001xf32, #tpu.memory_space<vmem>>[vector<16xi32>], vector<16xf32>,
        %gather3A_260 = tpu.vector_load_idx %arg5[%get3A_233] : memref<100001xf32, #tpu.memory_space<vmem>>[vector<16xi32>], vector<16xf32>,
        %gather3A_261 = tpu.vector_load_idx %arg5[%get3A_237] : memref<100001xf32, #tpu.memory_space<vmem>>[vector<16xi32>], vector<16xf32>,
        %gather3A_262 = tpu.vector_load_idx %arg5[%get3A_241] : memref<100001xf32, #tpu.memory_space<vmem>>[vector<16xi32>], vector<16xf32>,
        %gather3A_263 = tpu.vector_load_idx %arg5[%get3A_245] : memref<100001xf32, #tpu.memory_space<vmem>>[vector<16xi32>], vector<16xf32>,
        %gather3A_264 = tpu.vector_load_idx %arg5[%get3A_249] : memref<100001xf32, #tpu.memory_space<vmem>>[vector<16xi32>], vector<16xf32>,
        %add3A_265 = arith.constant 0 : i32
        %add3A_266 = arith.addi %mul3A_186, %add3A_265 : i32
        %swap3A = arith.constant 1 : i32
        %swap3A_267 = arith.index_cast %swap3A : i32 to index
        %swap3A_268 = arith.index_cast %add3A_266 : i32 to index
        %swap3A_269 = tpu.vector_load %arg7[%swap3A_267, %swap3A_268] {strides = array<i32>} : memref<2x4096xf32, #tpu.memory_space<vmem>>, vector<16xf32>,
        tpu.vector_store %arg7[%swap3A_267, %swap3A_268], %gather3A {strides = array<i32>} : memref<2x4096xf32, #tpu.memory_space<vmem>>, vector<16xf32>,
        %add3A_270 = arith.constant 16 : i32
        %add3A_271 = arith.addi %mul3A_186, %add3A_270 : i32
        %swap3A_272 = arith.constant 1 : i32
        %swap3A_273 = arith.index_cast %swap3A_272 : i32 to index
        %swap3A_274 = arith.index_cast %add3A_271 : i32 to index
        %swap3A_275 = tpu.vector_load %arg7[%swap3A_273, %swap3A_274] {strides = array<i32>} : memref<2x4096xf32, #tpu.memory_space<vmem>>, vector<16xf32>,
        tpu.vector_store %arg7[%swap3A_273, %swap3A_274], %gather3A_250 {strides = array<i32>} : memref<2x4096xf32, #tpu.memory_space<vmem>>, vector<16xf32>,
        %add3A_276 = arith.constant 32 : i32
        %add3A_277 = arith.addi %mul3A_186, %add3A_276 : i32
        %swap3A_278 = arith.constant 1 : i32
        %swap3A_279 = arith.index_cast %swap3A_278 : i32 to index
        %swap3A_280 = arith.index_cast %add3A_277 : i32 to index
        %swap3A_281 = tpu.vector_load %arg7[%swap3A_279, %swap3A_280] {strides = array<i32>} : memref<2x4096xf32, #tpu.memory_space<vmem>>, vector<16xf32>,
        tpu.vector_store %arg7[%swap3A_279, %swap3A_280], %gather3A_251 {strides = array<i32>} : memref<2x4096xf32, #tpu.memory_space<vmem>>, vector<16xf32>,
        %add3A_282 = arith.constant 48 : i32
        %add3A_283 = arith.addi %mul3A_186, %add3A_282 : i32
        %swap3A_284 = arith.constant 1 : i32
        %swap3A_285 = arith.index_cast %swap3A_284 : i32 to index
        %swap3A_286 = arith.index_cast %add3A_283 : i32 to index
        %swap3A_287 = tpu.vector_load %arg7[%swap3A_285, %swap3A_286] {strides = array<i32>} : memref<2x4096xf32, #tpu.memory_space<vmem>>, vector<16xf32>,
        tpu.vector_store %arg7[%swap3A_285, %swap3A_286], %gather3A_252 {strides = array<i32>} : memref<2x4096xf32, #tpu.memory_space<vmem>>, vector<16xf32>,
        %add3A_288 = arith.constant 64 : i32
        %add3A_289 = arith.addi %mul3A_186, %add3A_288 : i32
        %swap3A_290 = arith.constant 1 : i32
        %swap3A_291 = arith.index_cast %swap3A_290 : i32 to index
        %swap3A_292 = arith.index_cast %add3A_289 : i32 to index
        %swap3A_293 = tpu.vector_load %arg7[%swap3A_291, %swap3A_292] {strides = array<i32>} : memref<2x4096xf32, #tpu.memory_space<vmem>>, vector<16xf32>,
        tpu.vector_store %arg7[%swap3A_291, %swap3A_292], %gather3A_253 {strides = array<i32>} : memref<2x4096xf32, #tpu.memory_space<vmem>>, vector<16xf32>,
        %add3A_294 = arith.constant 80 : i32
        %add3A_295 = arith.addi %mul3A_186, %add3A_294 : i32
        %swap3A_296 = arith.constant 1 : i32
        %swap3A_297 = arith.index_cast %swap3A_296 : i32 to index
        %swap3A_298 = arith.index_cast %add3A_295 : i32 to index
        %swap3A_299 = tpu.vector_load %arg7[%swap3A_297, %swap3A_298] {strides = array<i32>} : memref<2x4096xf32, #tpu.memory_space<vmem>>, vector<16xf32>,
        tpu.vector_store %arg7[%swap3A_297, %swap3A_298], %gather3A_254 {strides = array<i32>} : memref<2x4096xf32, #tpu.memory_space<vmem>>, vector<16xf32>,
        %add3A_300 = arith.constant 96 : i32
        %add3A_301 = arith.addi %mul3A_186, %add3A_300 : i32
        %swap3A_302 = arith.constant 1 : i32
        %swap3A_303 = arith.index_cast %swap3A_302 : i32 to index
        %swap3A_304 = arith.index_cast %add3A_301 : i32 to index
        %swap3A_305 = tpu.vector_load %arg7[%swap3A_303, %swap3A_304] {strides = array<i32>} : memref<2x4096xf32, #tpu.memory_space<vmem>>, vector<16xf32>,
        tpu.vector_store %arg7[%swap3A_303, %swap3A_304], %gather3A_255 {strides = array<i32>} : memref<2x4096xf32, #tpu.memory_space<vmem>>, vector<16xf32>,
        %add3A_306 = arith.constant 112 : i32
        %add3A_307 = arith.addi %mul3A_186, %add3A_306 : i32
        %swap3A_308 = arith.constant 1 : i32
        %swap3A_309 = arith.index_cast %swap3A_308 : i32 to index
        %swap3A_310 = arith.index_cast %add3A_307 : i32 to index
        %swap3A_311 = tpu.vector_load %arg7[%swap3A_309, %swap3A_310] {strides = array<i32>} : memref<2x4096xf32, #tpu.memory_space<vmem>>, vector<16xf32>,
        tpu.vector_store %arg7[%swap3A_309, %swap3A_310], %gather3A_256 {strides = array<i32>} : memref<2x4096xf32, #tpu.memory_space<vmem>>, vector<16xf32>,
        %add3A_312 = arith.constant 128 : i32
        %add3A_313 = arith.addi %mul3A_186, %add3A_312 : i32
        %swap3A_314 = arith.constant 1 : i32
        %swap3A_315 = arith.index_cast %swap3A_314 : i32 to index
        %swap3A_316 = arith.index_cast %add3A_313 : i32 to index
        %swap3A_317 = tpu.vector_load %arg7[%swap3A_315, %swap3A_316] {strides = array<i32>} : memref<2x4096xf32, #tpu.memory_space<vmem>>, vector<16xf32>,
        tpu.vector_store %arg7[%swap3A_315, %swap3A_316], %gather3A_257 {strides = array<i32>} : memref<2x4096xf32, #tpu.memory_space<vmem>>, vector<16xf32>,
        %add3A_318 = arith.constant 144 : i32
        %add3A_319 = arith.addi %mul3A_186, %add3A_318 : i32
        %swap3A_320 = arith.constant 1 : i32
        %swap3A_321 = arith.index_cast %swap3A_320 : i32 to index
        %swap3A_322 = arith.index_cast %add3A_319 : i32 to index
        %swap3A_323 = tpu.vector_load %arg7[%swap3A_321, %swap3A_322] {strides = array<i32>} : memref<2x4096xf32, #tpu.memory_space<vmem>>, vector<16xf32>,
        tpu.vector_store %arg7[%swap3A_321, %swap3A_322], %gather3A_258 {strides = array<i32>} : memref<2x4096xf32, #tpu.memory_space<vmem>>, vector<16xf32>,
        %add3A_324 = arith.constant 160 : i32
        %add3A_325 = arith.addi %mul3A_186, %add3A_324 : i32
        %swap3A_326 = arith.constant 1 : i32
        %swap3A_327 = arith.index_cast %swap3A_326 : i32 to index
        %swap3A_328 = arith.index_cast %add3A_325 : i32 to index
        %swap3A_329 = tpu.vector_load %arg7[%swap3A_327, %swap3A_328] {strides = array<i32>} : memref<2x4096xf32, #tpu.memory_space<vmem>>, vector<16xf32>,
        tpu.vector_store %arg7[%swap3A_327, %swap3A_328], %gather3A_259 {strides = array<i32>} : memref<2x4096xf32, #tpu.memory_space<vmem>>, vector<16xf32>,
        %add3A_330 = arith.constant 176 : i32
        %add3A_331 = arith.addi %mul3A_186, %add3A_330 : i32
        %swap3A_332 = arith.constant 1 : i32
        %swap3A_333 = arith.index_cast %swap3A_332 : i32 to index
        %swap3A_334 = arith.index_cast %add3A_331 : i32 to index
        %swap3A_335 = tpu.vector_load %arg7[%swap3A_333, %swap3A_334] {strides = array<i32>} : memref<2x4096xf32, #tpu.memory_space<vmem>>, vector<16xf32>,
        tpu.vector_store %arg7[%swap3A_333, %swap3A_334], %gather3A_260 {strides = array<i32>} : memref<2x4096xf32, #tpu.memory_space<vmem>>, vector<16xf32>,
        %add3A_336 = arith.constant 192 : i32
        %add3A_337 = arith.addi %mul3A_186, %add3A_336 : i32
        %swap3A_338 = arith.constant 1 : i32
        %swap3A_339 = arith.index_cast %swap3A_338 : i32 to index
        %swap3A_340 = arith.index_cast %add3A_337 : i32 to index
        %swap3A_341 = tpu.vector_load %arg7[%swap3A_339, %swap3A_340] {strides = array<i32>} : memref<2x4096xf32, #tpu.memory_space<vmem>>, vector<16xf32>,
        tpu.vector_store %arg7[%swap3A_339, %swap3A_340], %gather3A_261 {strides = array<i32>} : memref<2x4096xf32, #tpu.memory_space<vmem>>, vector<16xf32>,
        %add3A_342 = arith.constant 208 : i32
        %add3A_343 = arith.addi %mul3A_186, %add3A_342 : i32
        %swap3A_344 = arith.constant 1 : i32
        %swap3A_345 = arith.index_cast %swap3A_344 : i32 to index
        %swap3A_346 = arith.index_cast %add3A_343 : i32 to index
        %swap3A_347 = tpu.vector_load %arg7[%swap3A_345, %swap3A_346] {strides = array<i32>} : memref<2x4096xf32, #tpu.memory_space<vmem>>, vector<16xf32>,
        tpu.vector_store %arg7[%swap3A_345, %swap3A_346], %gather3A_262 {strides = array<i32>} : memref<2x4096xf32, #tpu.memory_space<vmem>>, vector<16xf32>,
        %add3A_348 = arith.constant 224 : i32
        %add3A_349 = arith.addi %mul3A_186, %add3A_348 : i32
        %swap3A_350 = arith.constant 1 : i32
        %swap3A_351 = arith.index_cast %swap3A_350 : i32 to index
        %swap3A_352 = arith.index_cast %add3A_349 : i32 to index
        %swap3A_353 = tpu.vector_load %arg7[%swap3A_351, %swap3A_352] {strides = array<i32>} : memref<2x4096xf32, #tpu.memory_space<vmem>>, vector<16xf32>,
        tpu.vector_store %arg7[%swap3A_351, %swap3A_352], %gather3A_263 {strides = array<i32>} : memref<2x4096xf32, #tpu.memory_space<vmem>>, vector<16xf32>,
        %add3A_354 = arith.constant 240 : i32
        %add3A_355 = arith.addi %mul3A_186, %add3A_354 : i32
        %swap3A_356 = arith.constant 1 : i32
        %swap3A_357 = arith.index_cast %swap3A_356 : i32 to index
        %swap3A_358 = arith.index_cast %add3A_355 : i32 to index
        %swap3A_359 = tpu.vector_load %arg7[%swap3A_357, %swap3A_358] {strides = array<i32>} : memref<2x4096xf32, #tpu.memory_space<vmem>>, vector<16xf32>,
        tpu.vector_store %arg7[%swap3A_357, %swap3A_358], %gather3A_264 {strides = array<i32>} : memref<2x4096xf32, #tpu.memory_space<vmem>>, vector<16xf32>,
        %scan3A_360 = arith.constant 0 : i32
        scf.yield %scan3A_360 : i32
      }
      %scan3A_132 = arith.constant 16 : i32
      %dma_start3A_133 = arith.constant 1 : i32
      %dma_start3A_134 = arith.constant 0 : i32
      %dma_start3A_135 = tpu.memref_slice %arg7[%dma_start3A_133, %dma_start3A_134] : memref<2x4096xf32, #tpu.memory_space<vmem>> -> memref<1x4096xf32, #tpu.memory_space<vmem>>
      %dma_start3A_136 = tpu.memref_squeeze %dma_start3A_135 : memref<1x4096xf32, #tpu.memory_space<vmem>> -> memref<4096xf32, #tpu.memory_space<vmem>>
      %dma_start3A_137 = arith.constant 12288 : i32
      %dma_start3A_138 = tpu.memref_slice %arg4[%add3A_16, %dma_start3A_137] : memref<1664x16384xf32, #tpu.memory_space<hbm>> -> memref<1x4096xf32, #tpu.memory_space<hbm>>
      %dma_start3A_139 = tpu.memref_squeeze %dma_start3A_138 : memref<1x4096xf32, #tpu.memory_space<hbm>> -> memref<4096xf32, #tpu.memory_space<hbm>>
      %dma_start3A_140 = arith.constant 12288 : i32
      %dma_start3A_141 = tpu.memref_slice %arg4[%add3A_16, %dma_start3A_140] : memref<1664x16384xf32, #tpu.memory_space<hbm>> -> memref<1x4096xf32, #tpu.memory_space<hbm>>
      %dma_start3A_142 = tpu.memref_squeeze %dma_start3A_141 : memref<1x4096xf32, #tpu.memory_space<hbm>> -> memref<4096xf32, #tpu.memory_space<hbm>>
      %dma_start3A_143 = arith.constant 0 : i32
      %dma_start3A_144 = tpu.memref_slice %arg7[%dma_start3A_133, %dma_start3A_143] : memref<2x4096xf32, #tpu.memory_space<vmem>> -> memref<1x4096xf32, #tpu.memory_space<vmem>>
      %dma_start3A_145 = tpu.memref_squeeze %dma_start3A_144 : memref<1x4096xf32, #tpu.memory_space<vmem>> -> memref<4096xf32, #tpu.memory_space<vmem>>
      tpu.enqueue_dma source(%dma_start3A_145 : memref<4096xf32, #tpu.memory_space<vmem>>) target(%dma_start3A_142 : memref<4096xf32, #tpu.memory_space<hbm>>) target_semaphore(%arg9 : memref<!tpu.dma_semaphore, #tpu.memory_space<semaphore_mem>>)
      %add3A_146 = arith.constant 1 : i32
      %add3A_147 = arith.addi %add3A_16, %add3A_146 : i32
      %add3A_148 = arith.constant 52 : i32
      %add3A_149 = arith.addi %mul3A_2, %add3A_148 : i32
      %lt3A = arith.cmpi slt, %add3A_147, %add3A_149 : i32
      %convert_element_type3A_150 = arith.extui %lt3A : i1 to i32
      %cond3A_151 = arith.constant 0 : i32
      %cond3A_152 = arith.cmpi ne, %convert_element_type3A_150, %cond3A_151 : i32
      scf.if %cond3A_152 {
        %add3A_179 = arith.constant 1 : i32
        %add3A_180 = arith.addi %add3A_16, %add3A_179 : i32
        %dma_start3A_181 = arith.constant 0 : i32
        %dma_start3A_182 = tpu.memref_slice %arg2[%add3A_180, %dma_start3A_181] : memref<1664x100001xf32, #tpu.memory_space<hbm>> -> memref<1x100001xf32, #tpu.memory_space<hbm>>
        %dma_start3A_183 = tpu.memref_squeeze %dma_start3A_182 : memref<1x100001xf32, #tpu.memory_space<hbm>> -> memref<100001xf32, #tpu.memory_space<hbm>>
        %dma_start3A_184 = arith.constant 0 : i32
        %dma_start3A_185 = tpu.memref_slice %arg2[%add3A_180, %dma_start3A_184] : memref<1664x100001xf32, #tpu.memory_space<hbm>> -> memref<1x100001xf32, #tpu.memory_space<hbm>>
        %dma_start3A_186 = tpu.memref_squeeze %dma_start3A_185 : memref<1x100001xf32, #tpu.memory_space<hbm>> -> memref<100001xf32, #tpu.memory_space<hbm>>
        tpu.enqueue_dma source(%dma_start3A_186 : memref<100001xf32, #tpu.memory_space<hbm>>) target(%arg5 : memref<100001xf32, #tpu.memory_space<vmem>>) target_semaphore(%arg10 : memref<!tpu.dma_semaphore, #tpu.memory_space<semaphore_mem>>)
      } else {
      }
      %dma_wait3A_153 = arith.constant 0 : i32
      %dma_wait3A_154 = arith.constant 0 : i32
      %dma_wait3A_155 = tpu.memref_slice %arg7[%dma_wait3A_153, %dma_wait3A_154] : memref<2x4096xf32, #tpu.memory_space<vmem>> -> memref<1x4096xf32, #tpu.memory_space<vmem>>
      %dma_wait3A_156 = tpu.memref_squeeze %dma_wait3A_155 : memref<1x4096xf32, #tpu.memory_space<vmem>> -> memref<4096xf32, #tpu.memory_space<vmem>>
      %dma_wait3A_157 = arith.constant 8192 : i32
      %dma_wait3A_158 = tpu.memref_slice %arg4[%add3A_16, %dma_wait3A_157] : memref<1664x16384xf32, #tpu.memory_space<hbm>> -> memref<1x4096xf32, #tpu.memory_space<hbm>>
      %dma_wait3A_159 = tpu.memref_squeeze %dma_wait3A_158 : memref<1x4096xf32, #tpu.memory_space<hbm>> -> memref<4096xf32, #tpu.memory_space<hbm>>
      %dma_wait3A_160 = arith.constant 8192 : i32
      %dma_wait3A_161 = tpu.memref_slice %arg4[%add3A_16, %dma_wait3A_160] : memref<1664x16384xf32, #tpu.memory_space<hbm>> -> memref<1x4096xf32, #tpu.memory_space<hbm>>
      %dma_wait3A_162 = tpu.memref_squeeze %dma_wait3A_161 : memref<1x4096xf32, #tpu.memory_space<hbm>> -> memref<4096xf32, #tpu.memory_space<hbm>>
      %dma_wait3A_163 = arith.constant 0 : i32
      %dma_wait3A_164 = tpu.memref_slice %arg7[%dma_wait3A_153, %dma_wait3A_163] : memref<2x4096xf32, #tpu.memory_space<vmem>> -> memref<1x4096xf32, #tpu.memory_space<vmem>>
      %dma_wait3A_165 = tpu.memref_squeeze %dma_wait3A_164 : memref<1x4096xf32, #tpu.memory_space<vmem>> -> memref<4096xf32, #tpu.memory_space<vmem>>
      tpu.wait_dma2 semaphore(%arg8 : memref<!tpu.dma_semaphore, #tpu.memory_space<semaphore_mem>>) src(%dma_wait3A_165 : memref<4096xf32, #tpu.memory_space<vmem>>) dst(%dma_wait3A_162 : memref<4096xf32, #tpu.memory_space<hbm>>)
      %dma_wait3A_166 = arith.constant 1 : i32
      %dma_wait3A_167 = arith.constant 0 : i32
      %dma_wait3A_168 = tpu.memref_slice %arg7[%dma_wait3A_166, %dma_wait3A_167] : memref<2x4096xf32, #tpu.memory_space<vmem>> -> memref<1x4096xf32, #tpu.memory_space<vmem>>
      %dma_wait3A_169 = tpu.memref_squeeze %dma_wait3A_168 : memref<1x4096xf32, #tpu.memory_space<vmem>> -> memref<4096xf32, #tpu.memory_space<vmem>>
      %dma_wait3A_170 = arith.constant 12288 : i32
      %dma_wait3A_171 = tpu.memref_slice %arg4[%add3A_16, %dma_wait3A_170] : memref<1664x16384xf32, #tpu.memory_space<hbm>> -> memref<1x4096xf32, #tpu.memory_space<hbm>>
      %dma_wait3A_172 = tpu.memref_squeeze %dma_wait3A_171 : memref<1x4096xf32, #tpu.memory_space<hbm>> -> memref<4096xf32, #tpu.memory_space<hbm>>
      %dma_wait3A_173 = arith.constant 12288 : i32
      %dma_wait3A_174 = tpu.memref_slice %arg4[%add3A_16, %dma_wait3A_173] : memref<1664x16384xf32, #tpu.memory_space<hbm>> -> memref<1x4096xf32, #tpu.memory_space<hbm>>
      %dma_wait3A_175 = tpu.memref_squeeze %dma_wait3A_174 : memref<1x4096xf32, #tpu.memory_space<hbm>> -> memref<4096xf32, #tpu.memory_space<hbm>>
      %dma_wait3A_176 = arith.constant 0 : i32
      %dma_wait3A_177 = tpu.memref_slice %arg7[%dma_wait3A_166, %dma_wait3A_176] : memref<2x4096xf32, #tpu.memory_space<vmem>> -> memref<1x4096xf32, #tpu.memory_space<vmem>>
      %dma_wait3A_178 = tpu.memref_squeeze %dma_wait3A_177 : memref<1x4096xf32, #tpu.memory_space<vmem>> -> memref<4096xf32, #tpu.memory_space<vmem>>
      tpu.wait_dma2 semaphore(%arg9 : memref<!tpu.dma_semaphore, #tpu.memory_space<semaphore_mem>>) src(%dma_wait3A_178 : memref<4096xf32, #tpu.memory_space<vmem>>) dst(%dma_wait3A_175 : memref<4096xf32, #tpu.memory_space<hbm>>)
      scf.yield %select_n3A : i32
    }
    %scan3A_13 = arith.constant 52 : i32
    return
  }
}

</mosaic_0001>

<sc_bundles>
// kernel: kernel.3.cloned.1.call-start
scs
__scs_entry_jumppad:
0x0: {  	(pc) =	sbr.rel $0x88, $3  }
0x1: {  	(tag) =	ssettag $0x0;
	lr =	simm.s32 $0x1  }
0x2: {  	[smem:$0x3F9F] =	sst lr;
	_ =	strace $0xD0000000  }
0x3: {  	_ = 	snop  }
0x4: {  	_ = 	snop  }
0x5: {  	_ = 	snop  }
0x6: {  	_ = 	snop  }
0x7: {  	_ = 	snop  }
__scs_overlays_trampoline_lowered:
0x8: {  	[smem:$0x3FAE] =	sst s0  }
0x9: {  	[smem:$0x3FAF] =	sst s1  }
0xa: {  	[smem:$0x3FB0] =	sst s2  }
0xb: {  	[smem:$0x3FB1] =	sst s3  }
0xc: {  	[smem:$0x3FB2] =	sst s4  }
0xd: {  	[smem:$0x3FB3] =	sst s5  }
0xe: {  	[smem:$0x3FB4] =	sst s6  }
0xf: {  	[smem:$0x3FB5] =	sst s7  }
0x10: {  	[smem:$0x3FB6] =	sst s8  }
0x11: {  	[smem:$0x3FB7] =	sst s9;
	s0 =	simm.s32 @!p0 $0x0  }
0x12: {  	s1 =	sld [smem:$0x3F9D];
	s0 =	simm.s32 @p0 $0x1  }
0x13: {  	[smem:$0x3FB8] =	sst s0;
	s0 =	simm.s32 @!p1 $0x0  }
0x14: {  	s2 =	sld [smem:$0x3F9C];
	s0 =	simm.s32 @p1 $0x1  }
0x15: {  	[smem:$0x3FB9] =	sst s0;
	s0 =	simm.s32 @!p2 $0x0  }
0x16: {  	s3 =	sld [smem:$0x3FDB];
	s0 =	simm.s32 @p2 $0x1  }
0x17: {  	s4 =	simm.s32 $0x1BF5;
	[smem:$0x3FBB] =	sst s0  }
0x18: {  	s0 =	sld [smem:$0x3F9E];
	_ =	swait.ge [sflag:s4], $0x0  }
0x19: {  	s7 =	sld [smem:$0x3F9F]  }
0x1a: {  	s8 =	sadd.s32 $0xFFFFE003, lr  }
0x1b: {  	s9 =	sadd.s32 $0xFFFFFEF7, lr;
	s5 =	simm.s32 $0xFFFFFFFF;
	p2 =	slt.u32 s8, $0xFFFFF086  }
0x1c: {  	p1 =	slt.u32 s9, $0xF7A;
	s5 =	simm.s32 @!p2 $0x0  }
0x1d: {  	s5 =	simm.s32 @p1 $0x1;
	p0 =	seq.s32 s7, s2  }
0x1e: {  	s7 =	smul.u32 @!p0 $0xF7A, s2;
	p2 =	seq.s32 @!p0 s5, $0x0  }
0x1f: {  	s9 =	smul.u32 $0xF7A, s1;
	s8 =	simm.s32 @!p0 $0x1BF5;
	p2 =	por !p2, p0  }
0x20: {  	[sflag:s8] =	ssyncset.s32 @!p0 $0xFFFFF086;
	s6 =	sadd.s32 @!p0 s3, s7;
	s7 =	simm.s32 @!p0 $0x108  }
0x21: {  	s3 =	sadd.s32 s3, s9;
	s6 =	sadd.s32 @!p0 $0x88, s6;
	s7 =	simm.s32 @p2 $0x1082  }
0x22: {  	[simem:s7], [sflag:s8] =	dma.local @!p0 [hbm:s6], $0xF7A  }
0x23: {  	s9 =	sor.u32 $0xD0000000, s2;
	s6 =	simm.s32 $0x108;
	_ =	swait.ge @!p0 [sflag:s8], $0x0  }
0x24: {  	s3 =	sadd.s32 $0x88, s3;
	s6 =	simm.s32 @!p1 $0x1082;
	[sflag:s4] =	ssyncset.s32 $0xFFFFF086  }
0x25: {  	[simem:s6], [sflag:s4] =	dma.local [hbm:s3], $0xF7A  }
0x26: {  	[smem:$0x3F9F] =	sst s1;
	(tag) =	ssettag s2;
	_ =	strace s9  }
0x27: {  	s1 =	sld [smem:$0x3FAF]  }
0x28: {  	s2 =	sld [smem:$0x3FB0]  }
0x29: {  	s4 =	sld [smem:$0x3FB2]  }
0x2a: {  	p0 =	seq.s32 s5, $0x0;
	s5 =	sld [smem:$0x3FB3]  }
0x2b: {  	s6 =	sld [smem:$0x3FB4]  }
0x2c: {  	s7 =	sld [smem:$0x3FB5]  }
0x2d: {  	s3 =	simm.s32 $0x108;
	s8 =	sld [smem:$0x3FB6]  }
0x2e: {  	s3 =	simm.s32 @!p0 $0x1082;
	s9 =	sld [smem:$0x3FB7]  }
0x2f: {  	lr =	sadd.s32 s0, s3;
	s0 =	sld [smem:$0x3FAE]  }
0x30: {  	s3 =	sld [smem:$0x3FB1]  }
0x31: {  	[smem:$0x3FBA] =	sst s10  }
0x32: {  	s10 =	sld [smem:$0x3FB8];
	_ =	sdelay $0x3  }
0x33: {  	p0 =	seq.s32 s10, $0x1;
	s10 =	sld [smem:$0x3FBA];
	_ =	sdelay $0x3  }
0x34: {  	[smem:$0x3FBA] =	sst s10  }
0x35: {  	s10 =	sld [smem:$0x3FB9];
	_ =	sdelay $0x3  }
0x36: {  	p1 =	seq.s32 s10, $0x1;
	s10 =	sld [smem:$0x3FBA];
	_ =	sdelay $0x3  }
0x37: {  	[smem:$0x3FBA] =	sst s10  }
0x38: {  	s10 =	sld [smem:$0x3FBB]  }
0x39: {  	_ = 	snop;
	(pc) =	sbr.ind lr, $3  }
0x3a: {  	_ = 	snop  }
0x3b: {  	_ = 	snop  }
0x3c: {  	p2 =	seq.s32 s10, $0x1;
	s10 =	sld [smem:$0x3FBA]  }
0x3d: {  	_ =	shalt  }
0x3e: {  	_ =	shalt  }
0x3f: {  	_ =	shalt  }
0x40: {  	_ =	shalt  }
0x41: {  	_ =	shalt  }
0x42: {  	_ =	shalt  }
0x43: {  	_ =	shalt  }
0x44: {  	_ =	shalt  }
0x45: {  	_ =	shalt  }
0x46: {  	_ =	shalt  }
0x47: {  	_ =	shalt  }
0x48: {  	_ =	shalt  }
0x49: {  	_ =	shalt  }
0x4a: {  	_ =	shalt  }
0x4b: {  	_ =	shalt  }
0x4c: {  	_ =	shalt  }
0x4d: {  	_ =	shalt  }
0x4e: {  	_ =	shalt  }
0x4f: {  	_ =	shalt  }
0x50: {  	_ =	shalt  }
0x51: {  	_ =	shalt  }
0x52: {  	_ =	shalt  }
0x53: {  	_ =	shalt  }
0x54: {  	_ =	shalt  }
0x55: {  	_ =	shalt  }
0x56: {  	_ =	shalt  }
0x57: {  	_ =	shalt  }
0x58: {  	_ =	shalt  }
0x59: {  	_ =	shalt  }
0x5a: {  	_ =	shalt  }
0x5b: {  	_ =	shalt  }
0x5c: {  	_ =	shalt  }
0x5d: {  	_ =	shalt  }
0x5e: {  	_ =	shalt  }
0x5f: {  	_ =	shalt  }
0x60: {  	_ =	shalt  }
0x61: {  	_ =	shalt  }
0x62: {  	_ =	shalt  }
0x63: {  	_ =	shalt  }
0x64: {  	_ =	shalt  }
0x65: {  	_ =	shalt  }
0x66: {  	_ =	shalt  }
0x67: {  	_ =	shalt  }
0x68: {  	_ =	shalt  }
0x69: {  	_ =	shalt  }
0x6a: {  	_ =	shalt  }
0x6b: {  	_ =	shalt  }
0x6c: {  	_ =	shalt  }
0x6d: {  	_ =	shalt  }
0x6e: {  	_ =	shalt  }
0x6f: {  	_ =	shalt  }
0x70: {  	_ =	shalt  }
0x71: {  	_ =	shalt  }
0x72: {  	_ =	shalt  }
0x73: {  	_ =	shalt  }
0x74: {  	_ =	shalt  }
0x75: {  	_ =	shalt  }
0x76: {  	_ =	shalt  }
0x77: {  	_ =	shalt  }
0x78: {  	_ =	shalt  }
0x79: {  	_ =	shalt  }
0x7a: {  	_ =	shalt  }
0x7b: {  	_ =	shalt  }
0x7c: {  	_ =	shalt  }
0x7d: {  	_ =	shalt  }
0x7e: {  	_ =	shalt  }
0x7f: {  	_ =	shalt  }
0x80: {  	_ =	shalt  }
0x81: {  	_ =	shalt  }
0x82: {  	_ =	shalt  }
0x83: {  	_ =	shalt  }
0x84: {  	_ =	shalt  }
0x85: {  	_ =	shalt  }
0x86: {  	_ =	shalt  }
0x87: {  	_ =	shalt  }
.Lfunc_end0:
.L_simem_size_0:
called_computation_lowered:
.L_overlay_start_0:
0x88: {  	s2 =	sld [smem:$0x3FD9]  }
0x89: {  	s3 =	sld [smem:$0x3FFE];
	_ =	sdelay $0x1  }
0x8a: {  	s1 =	srdreg.scid  }
0x8b: {  	s0 =	sand.u32 $0x1, s1  }
0x8c: {  	s18 =	sshll.u32 s0, $0xA;
	s2 =	sadd.s32 s3, s2  }
0x8d: {  	s2 =	sadd.s32 s2, s18  }
0x8e: {  	[smem:$0x3FC6] =	sst s2  }
0x8f: {  	_ = 	snop  }
0x90: {  	s2 =	sld [smem:$0x3FC9]  }
0x91: {  	s19 =	sld [smem:$0x3FC8]  }
0x92: {  	s4 =	sld [smem:$0x3FD0];
	(tm) =	ssettm $0x1  }
0x93: {  	s5 =	sld [smem:$0x3FFB];
	_ =	sdelay $0x3  }
0x94: {  	_ =	strace s5  }
0x95: {  	s5 =	sld [smem:$0x3FFC];
	_ =	sdelay $0x3  }
0x96: {  	_ =	strace s5  }
0x97: {  	s5 =	sld [smem:$0x3FFD];
	_ =	sdelay $0x3  }
0x98: {  	_ =	strace s5  }
0x99: {  	_ =	strace $0x8FFFFFFF  }
0x9a: {  	s20 =	sld [smem:$0x3FDB];
	_ =	sdelay $0x1  }
0x9b: {  	s6 =	simm.s32 $_scs_section_size  }
0x9c: {  	s7 =	simm.s32 $_size__tile_overlayer_lowered;
	s8 =	simm.s32 $_tile_overlayer_lowered  }
0x9d: {  	s23 =	simm.s32 $0x1BFF;
	s22 =	sshll.u32 s8, $0x1;
	s5 =	sadd.s32 s6, s20  }
0x9e: {  	s9 =	simm.s32 $0x0;
	s21 =	sshll.u32 s7, $0x1;
	s7 =	sadd.s32 s22, s5  }
0x9f: {  	[timem:s9], [sflag:s23] =	dma.local [hbm:s7], s21  }
0xa0: {  	_ =	swait.ge [sflag:s23], s21  }
0xa1: {  	s6 =	ssub.s32 $0x0, s21;
	[sflag:s23] =	ssyncset.done $0x0  }
0xa2: {  	[sflag:s23] =	ssyncadd.s32 s6;
	_ =	sdelay $0x1  }
0xa3: {  	s24 =	simm.s32 $0x1B8B  }
0xa4: {  	_ =	swait.ge [sflag:s24], $0x1  }
0xa5: {  	[sflag:s24] =	ssyncset.done $0x0  }
0xa6: {  	s25 =	simm.s32 $0x1B8E;
	[sflag:s24] =	ssyncadd.s32 $0xFFFFFFFF  }
0xa7: {  	s26 =	simm.s32 $execute0_lowered;
	[smem:$0x3FD2] =	sst s25  }
0xa8: {  	s6 =	sshll.u32 s26, $0x1;
	_ =	strace $0x80000046;
	[dreg:$0x1] =	wrdreg $0xFFFFFFFF  }
0xa9: {  	s28 =	simm.s32 $_size_execute0_lowered;
	s5 =	sadd.s32 s5, s6;
	[dreg:$0x0] =	wrdreg $0x0  }
0xaa: {  	s6 =	sshll.u32 s28, $0x1;
	[dreg:$0x2] =	wrdreg s5  }
0xab: {  	[dreg:$0x3] =	wrdreg s6  }
0xac: {  	[dreg:$0x4] =	wrdreg $0xC0  }
0xad: {  	_ =	task [dreg:s9], $0x5FFFF  }
0xae: {  	[dreg:$0x1] =	wrdreg $0xFFFFFFFF  }
0xaf: {  	[dreg:$0x0] =	wrdreg $0x60  }
0xb0: {  	[dreg:$0x2] =	wrdreg s19  }
0xb1: {  	[dreg:$0x3] =	wrdreg s2  }
0xb2: {  	[dreg:$0x4] =	wrdreg s4  }
0xb3: {  	[dreg:$0x5] =	wrdreg $0x9  }
0xb4: {  	_ =	task.clear_ibuf [dreg:s9], $0x6FFFF;
	_ =	strace $0x90000046  }
0xb5: {  	s29 =	simm.s32 $0x9;
	_ =	strace $0x80000048  }
0xb6: {  	_ =	swait.ge [sflag:s29], $0x1  }
0xb7: {  	[sflag:s29] =	ssyncadd.s32 $0xFFFFFFFF  }
0xb8: {  	_ =	strace $0x90000048  }
0xb9: {  	_ =	sfence  }
0xba: {  	s30 =	sld [smem:$0x0];
	_ =	sdelay $0x2  }
0xbb: {  	s31 =	sshll.u32 s1, $0xD;
	s1 =	sshrl.u32 s1, $0x2  }
0xbc: {  	s3 =	sand.u32 $0x4000, s31;
	s1 =	sadd.s32 s1, s30  }
0xbd: {  	s0 =	sor.u32 s3, s0;
	s1 =	sshll.u32 s1, $0x11  }
0xbe: {  	s0 =	sor.u32 s1, s0  }
0xbf: {  	s0 =	sadd.s32 $0x8F2B, s0  }
0xc0: {  	[sflag:s0] =	ssyncadd.remote.s32 $0x1  }
0xc1: {  	_ =	sfence.sel $0xFFFF  }
0xc2: {  	[dreg:$0x0] =	wrdreg $0xFFFFFFFF;
	(pc) =	sbr.abs _section_cstart, $3  }
0xc3: {  	[dreg:$0x1] =	wrdreg $0xFFFFFFFF  }
0xc4: {  	_ =	task.clear_ibuf [dreg:s9], $0x2FFFF;
	_ =	strace $0x9FFFFFFF  }
0xc5: {  	(tm) =	ssettm $0x7FFFFFFF  }
tec
execute0_lowered:
.L_overlay_start_1:
0x0: {  	(tag) =	ssettag $0x1  }
0x1: {  	s1 =	srdreg.scid  }
0x2: {  	s0 =	stileid.u32;
	s2 =	rddreg [dreg:$0x0]  }
0x3: {  	s4 =	rddreg [dreg:$0x1];
	s7 =	sand.u32 $0x1, s1;
	s31 =	sshll.u32 s0, $0x1  }
0x4: {  	s5 =	rddreg [dreg:$0x2];
	s13 =	simm.s32 $0x80;
	s1 =	sor.u32 s7, s31  }
0x5: {  	s14 =	simm.s32 $0x400;
	s15 =	simm.s32 $0x3;
	s3 =	smul.u32 $0x34, s1  }
0x6: {  	s16 =	simm.s32 $0x1;
	s17 =	simm.s32 $0x2;
	s18 =	simm.s32 $0x0  }
0x7: {  	s9 =	ssub.s32 $0x2, s7;
	s7 =	sshll.u32 s7, $0x9;
	s6 =	sshrl.u32 s3, $0x3  }
0x8: {  	s1 =	rddreg [dreg:$0x3];
	s10 =	sshrl.u32 s9, $0x1;
	s8 =	smul.u32 $0xC3800, s6  }
0x9: {  	s12 =	ssub.s32 s9, s10;
	s9 =	sadd.s32 $0x2000, s5;
	s10 =	sadd.s32 $0x3000, s5  }
0xa: {  	s11 =	sadd.s32 $0x34, s3;
	s6 =	simm.s32 $0x0;
	s7 =	sor.u32 s7, s8  }
0xb: {  	s12 =	smax.u32 s12, $0x1;
	[smem:$0x7FF] =	sst s6;
	s7 =	sshrl.u32 s7, $0x3  }
0xc: {  	_ =	strace $0x80000047;
	s8 =	sadd.s32 $0x1000, s5;
	s7 =	sadd.s32 s2, s7  }
.LBB2_1:
0xd: {  	[tilespmem:s6], [sflag:$0x3] =	stream.strided.gather [hbm4b:s7+s13], $0x18700, s14, s13, $0x38;
	[tilespmem:$0x1E700] =	vst v63  }
0xe: {  	s20 =	simm.s32 $0xFFFFFFFF;
	s19 =	simm.s32 $0x0  }
.LBB2_2:
0xf: {  	s21 =	sadd.s32 s3, s19  }
0x10: {  	s22 =	smov.u32 s20;
	s20 =	sshrl.u32 s21, $0x6  }
0x11: {  	p0 =	seq.s32 s20, s22  }
0x12: {  	s22 =	sshll.u32 @!p0 s20, $0x4  }
0x13: {  	s23 =	sshll.u32 @!p0 s20, $0xB;
	s22 =	sand.u32 @!p0 $0x70, s22  }
0x14: {  	s24 =	simm.s32 @!p0 $0x400;
	s23 =	sand.u32 @!p0 $0xFFFC000, s23;
	s22 =	sadd.s32 @!p0 s4, s22  }
0x15: {  	s25 =	simm.s32 @!p0 $0x18700;
	s22 =	sadd.s32 @!p0 s23, s22;
	s23 =	simm.s32 @!p0 $0x80  }
0x16: {  	[tilespmem:s25], [sflag:$0x4] =	stream.strided.gather @!p0 [hbm4b:s22+s23], $0x4000, s24, s23, $0x38;
	[tilespmem:$0x1E700] =	vst v63  }
0x17: {  	s22 =	simm.s32 @!p0 $0x4  }
0x18: {  	_ =	swait.ge @!p0 [sflag:s22], $0x4000  }
0x19: {  	[sflag:s22] =	ssyncset.done @!p0 $0x0  }
0x1a: {  	[sflag:s22] =	ssyncadd.s32 @!p0 $0xFFFFC000  }
0x1b: {  	_ =	swait.ge [sflag:s15], $0x18700  }
0x1c: {  	[sflag:s15] =	ssyncset.done $0x0  }
0x1d: {  	s22 =	simm.s32 $0x18780;
	[sflag:s15] =	ssyncadd.s32 $0xFFFE7900  }
0x1e: {  	v1 =	vld [tilespmem:s22+$0xFFFFFF80]  }
0x1f: {  	v2 =	vld [tilespmem:s22+$0xFFFFFF90]  }
0x20: {  	v8 =	vld [tilespmem:s22+$0xFFFFFFA0]  }
0x21: {  	v9 =	vld [tilespmem:s22+$0xFFFFFFB0]  }
0x22: {  	v10 =	vld [tilespmem:s22+$0xFFFFFFC0]  }
0x23: {  	v11 =	vld [tilespmem:s22+$0xFFFFFFD0]  }
0x24: {  	v12 =	vld [tilespmem:s22+$0xFFFFFFE0]  }
0x25: {  	v13 =	vld [tilespmem:s22+$0xFFFFFFF0]  }
0x26: {  	v14 =	vld [tilespmem:s22+$0x0]  }
0x27: {  	v3 =	vld [tilespmem:s22+$0x10]  }
0x28: {  	v4 =	vld [tilespmem:s22+$0x20]  }
0x29: {  	v5 =	vld [tilespmem:s22+$0x30]  }
0x2a: {  	v6 =	vld [tilespmem:s22+$0x40]  }
0x2b: {  	v7 =	vld [tilespmem:s22+$0x50]  }
0x2c: {  	v0 =	vld [tilespmem:s22+$0x60]  }
0x2d: {  	v15 =	vld [tilespmem:s22+$0x70]  }
0x2e: {  	v1 =	vld.idx.msk [tilespmem:v1+s6+$0x0], $0xffff  }
0x2f: {  	s23 =	simm.s32 $0x0;
	s24 =	simm.s32 $0x800;
	v2 =	vld.idx.msk [tilespmem:v2+s6+$0x0], $0xffff  }
.LBB2_3:
0x30: {  	p0 =	sne.s32 s24, $0x7800;
	v8 =	vld.idx.msk [tilespmem:v8+s6+$0x0], $0xffff  }
0x31: {  	v9 =	vld.idx.msk [tilespmem:v9+s6+$0x0], $0xffff  }
0x32: {  	v10 =	vld.idx.msk [tilespmem:v10+s6+$0x0], $0xffff  }
0x33: {  	v11 =	vld.idx.msk [tilespmem:v11+s6+$0x0], $0xffff  }
0x34: {  	v12 =	vld.idx.msk [tilespmem:v12+s6+$0x0], $0xffff  }
0x35: {  	v13 =	vld.idx.msk [tilespmem:v13+s6+$0x0], $0xffff  }
0x36: {  	v14 =	vld.idx.msk [tilespmem:v14+s6+$0x0], $0xffff  }
0x37: {  	v15 =	vld.idx.msk [tilespmem:v15+s6+$0x0], $0xffff  }
0x38: {  	v3 =	vld.idx.msk [tilespmem:v3+s6+$0x0], $0xffff  }
0x39: {  	v4 =	vld.idx.msk [tilespmem:v4+s6+$0x0], $0xffff  }
0x3a: {  	v5 =	vld.idx.msk [tilespmem:v5+s6+$0x0], $0xffff  }
0x3b: {  	v6 =	vld.idx.msk [tilespmem:v6+s6+$0x0], $0xffff  }
0x3c: {  	s25 =	sshra.s32 s23, $0x2;
	s23 =	smov.u32 s24;
	v7 =	vld.idx.msk [tilespmem:v7+s6+$0x0], $0xffff  }
0x3d: {  	v0 =	vld.idx.msk [tilespmem:v0+s6+$0x0], $0xffff;
	[tilespmem:s25+$0x1C870] =	vst v15  }
0x3e: {  	[tilespmem:s25+$0x1C700] =	vst v1  }
0x3f: {  	[tilespmem:s25+$0x1C710] =	vst v2  }
0x40: {  	[tilespmem:s25+$0x1C720] =	vst v8  }
0x41: {  	[tilespmem:s25+$0x1C730] =	vst v9  }
0x42: {  	[tilespmem:s25+$0x1C740] =	vst v10  }
0x43: {  	[tilespmem:s25+$0x1C750] =	vst v11  }
0x44: {  	[tilespmem:s25+$0x1C760] =	vst v12  }
0x45: {  	[tilespmem:s25+$0x1C770] =	vst v13  }
0x46: {  	[tilespmem:s25+$0x1C800] =	vst v14  }
0x47: {  	[tilespmem:s25+$0x1C810] =	vst v3  }
0x48: {  	[tilespmem:s25+$0x1C820] =	vst v4  }
0x49: {  	[tilespmem:s25+$0x1C830] =	vst v5  }
0x4a: {  	[tilespmem:s25+$0x1C840] =	vst v6  }
0x4b: {  	[tilespmem:s25+$0x1C850] =	vst v7  }
0x4c: {  	s22 =	sadd.s32 $0x100, s22;
	[tilespmem:s25+$0x1C860] =	vst v0  }
0x4d: {  	v1 =	vld [tilespmem:s22+$0xFFFFFF80]  }
0x4e: {  	v2 =	vld [tilespmem:s22+$0xFFFFFF90]  }
0x4f: {  	v8 =	vld [tilespmem:s22+$0xFFFFFFA0]  }
0x50: {  	v9 =	vld [tilespmem:s22+$0xFFFFFFB0]  }
0x51: {  	v10 =	vld [tilespmem:s22+$0xFFFFFFC0]  }
0x52: {  	v11 =	vld [tilespmem:s22+$0xFFFFFFD0]  }
0x53: {  	v12 =	vld [tilespmem:s22+$0xFFFFFFE0]  }
0x54: {  	v13 =	vld [tilespmem:s22+$0xFFFFFFF0]  }
0x55: {  	v14 =	vld [tilespmem:s22+$0x0]  }
0x56: {  	v3 =	vld [tilespmem:s22+$0x10]  }
0x57: {  	v4 =	vld [tilespmem:s22+$0x20]  }
0x58: {  	v5 =	vld [tilespmem:s22+$0x30]  }
0x59: {  	v6 =	vld [tilespmem:s22+$0x40]  }
.Ltmp0:
0x5a: {  	v7 =	vld [tilespmem:s22+$0x50];
	(pc) =	sbr.rel @p0 .LBB2_3-.Ltmp0, $4  }
0x5b: {  	v0 =	vld [tilespmem:s22+$0x60]  }
0x5c: {  	v15 =	vld [tilespmem:s22+$0x70]  }
0x5d: {  	v1 =	vld.idx.msk [tilespmem:v1+s6+$0x0], $0xffff  }
0x5e: {  	s24 =	sadd.s32 $0x800, s24;
	v2 =	vld.idx.msk [tilespmem:v2+s6+$0x0], $0xffff  }
0x5f: {  	_ =	sdelay $0x3  }
0x60: {  	v8 =	vld.idx.msk [tilespmem:v8+s6+$0x0], $0xffff  }
0x61: {  	v9 =	vld.idx.msk [tilespmem:v9+s6+$0x0], $0xffff  }
0x62: {  	v10 =	vld.idx.msk [tilespmem:v10+s6+$0x0], $0xffff  }
0x63: {  	v11 =	vld.idx.msk [tilespmem:v11+s6+$0x0], $0xffff  }
0x64: {  	v12 =	vld.idx.msk [tilespmem:v12+s6+$0x0], $0xffff  }
0x65: {  	v13 =	vld.idx.msk [tilespmem:v13+s6+$0x0], $0xffff  }
0x66: {  	v14 =	vld.idx.msk [tilespmem:v14+s6+$0x0], $0xffff  }
0x67: {  	v3 =	vld.idx.msk [tilespmem:v3+s6+$0x0], $0xffff  }
0x68: {  	v4 =	vld.idx.msk [tilespmem:v4+s6+$0x0], $0xffff  }
0x69: {  	v5 =	vld.idx.msk [tilespmem:v5+s6+$0x0], $0xffff  }
0x6a: {  	v6 =	vld.idx.msk [tilespmem:v6+s6+$0x0], $0xffff  }
0x6b: {  	v7 =	vld.idx.msk [tilespmem:v7+s6+$0x0], $0xffff  }
0x6c: {  	s23 =	sshra.s32 s23, $0x2;
	v0 =	vld.idx.msk [tilespmem:v0+s6+$0x0], $0xffff  }
0x6d: {  	v15 =	vld.idx.msk [tilespmem:v15+s6+$0x0], $0xffff;
	[tilespmem:s23+$0x1C700] =	vst v1  }
0x6e: {  	[tilespmem:s23+$0x1C710] =	vst v2  }
0x6f: {  	[tilespmem:s23+$0x1C720] =	vst v8  }
0x70: {  	[tilespmem:s23+$0x1C730] =	vst v9  }
0x71: {  	[tilespmem:s23+$0x1C740] =	vst v10  }
0x72: {  	[tilespmem:s23+$0x1C750] =	vst v11  }
0x73: {  	[tilespmem:s23+$0x1C760] =	vst v12  }
0x74: {  	[tilespmem:s23+$0x1C770] =	vst v13  }
0x75: {  	[tilespmem:s23+$0x1C800] =	vst v14  }
0x76: {  	[tilespmem:s23+$0x1C810] =	vst v3  }
0x77: {  	[tilespmem:s23+$0x1C820] =	vst v4  }
0x78: {  	[tilespmem:s23+$0x1C830] =	vst v5  }
0x79: {  	s22 =	sshll.u32 s21, $0x4;
	s24 =	sshll.u32 s21, $0xB;
	[tilespmem:s23+$0x1C840] =	vst v6  }
0x7a: {  	s22 =	sand.u32 $0x70, s22;
	s24 =	sand.u32 $0xFFFC000, s24;
	[tilespmem:s23+$0x1C850] =	vst v7  }
0x7b: {  	s25 =	simm.s32 $0x1C700;
	s22 =	sor.u32 s22, s24;
	[tilespmem:s23+$0x1C860] =	vst v0  }
0x7c: {  	s26 =	simm.s32 $0x0;
	s24 =	sadd.s32 s5, s22;
	[tilespmem:s23+$0x1C870] =	vst v15;
	s23 =	simm.s32 $0x0  }
.LBB2_5:
0x7d: {  	p0 =	sne.s32 s26, $0xF80  }
.Ltmp1:
0x7e: {  	_ = 	snop;
	(pc) =	sbr.rel @p0 .LBB2_5-.Ltmp1, $4  }
0x7f: {  	_ = 	snop  }
0x80: {  	s28 =	sadd.s32 s26, s24  }
0x81: {  	[hbm4b:s28+s23] =	stream.linear.scatter [tilespmem:s25], [sflag:$0x1], $0x80, $0x38;
	[tilespmem:$0x1E700] =	vst v63  }
0x82: {  	s26 =	sadd.s32 $0x80, s26;
	s25 =	sadd.s32 $0x100, s25  }
0x83: {  	s24 =	simm.s32 $0x197F0  }
0x84: {  	v1 =	vld [tilespmem:s24+$0xFFFFFF10]  }
0x85: {  	v2 =	vld [tilespmem:s24+$0xFFFFFF20]  }
0x86: {  	v8 =	vld [tilespmem:s24+$0xFFFFFF30]  }
0x87: {  	v9 =	vld [tilespmem:s24+$0xFFFFFF40]  }
0x88: {  	v10 =	vld [tilespmem:s24+$0xFFFFFF50]  }
0x89: {  	v11 =	vld [tilespmem:s24+$0xFFFFFF60]  }
0x8a: {  	v12 =	vld [tilespmem:s24+$0xFFFFFF70]  }
0x8b: {  	v13 =	vld [tilespmem:s24+$0xFFFFFF80]  }
0x8c: {  	v14 =	vld [tilespmem:s24+$0xFFFFFF90]  }
0x8d: {  	v3 =	vld [tilespmem:s24+$0xFFFFFFA0]  }
0x8e: {  	v4 =	vld [tilespmem:s24+$0xFFFFFFB0]  }
0x8f: {  	v5 =	vld [tilespmem:s24+$0xFFFFFFC0]  }
0x90: {  	v6 =	vld [tilespmem:s24+$0xFFFFFFD0]  }
0x91: {  	v7 =	vld [tilespmem:s24+$0xFFFFFFE0]  }
0x92: {  	v0 =	vld [tilespmem:s24+$0xFFFFFFF0]  }
0x93: {  	v15 =	vld [tilespmem:s24+$0x0]  }
0x94: {  	v1 =	vld.idx.msk [tilespmem:v1+s6+$0x0], $0xffff  }
0x95: {  	s25 =	simm.s32 $0x800;
	v2 =	vld.idx.msk [tilespmem:v2+s6+$0x0], $0xffff  }
.LBB2_7:
0x96: {  	p0 =	sne.s32 s25, $0x7800;
	v8 =	vld.idx.msk [tilespmem:v8+s6+$0x0], $0xffff  }
0x97: {  	v9 =	vld.idx.msk [tilespmem:v9+s6+$0x0], $0xffff  }
0x98: {  	v10 =	vld.idx.msk [tilespmem:v10+s6+$0x0], $0xffff  }
0x99: {  	v11 =	vld.idx.msk [tilespmem:v11+s6+$0x0], $0xffff  }
0x9a: {  	v12 =	vld.idx.msk [tilespmem:v12+s6+$0x0], $0xffff  }
0x9b: {  	v13 =	vld.idx.msk [tilespmem:v13+s6+$0x0], $0xffff  }
0x9c: {  	v14 =	vld.idx.msk [tilespmem:v14+s6+$0x0], $0xffff  }
0x9d: {  	v15 =	vld.idx.msk [tilespmem:v15+s6+$0x0], $0xffff  }
0x9e: {  	v3 =	vld.idx.msk [tilespmem:v3+s6+$0x0], $0xffff  }
0x9f: {  	v4 =	vld.idx.msk [tilespmem:v4+s6+$0x0], $0xffff  }
0xa0: {  	v5 =	vld.idx.msk [tilespmem:v5+s6+$0x0], $0xffff  }
0xa1: {  	v6 =	vld.idx.msk [tilespmem:v6+s6+$0x0], $0xffff  }
0xa2: {  	s26 =	sshra.s32 s23, $0x2;
	s23 =	smov.u32 s25;
	v7 =	vld.idx.msk [tilespmem:v7+s6+$0x0], $0xffff  }
0xa3: {  	v0 =	vld.idx.msk [tilespmem:v0+s6+$0x0], $0xffff;
	[tilespmem:s26+$0x1C8F0] =	vst v15  }
0xa4: {  	[tilespmem:s26+$0x1C780] =	vst v1  }
0xa5: {  	[tilespmem:s26+$0x1C790] =	vst v2  }
0xa6: {  	[tilespmem:s26+$0x1C7A0] =	vst v8  }
0xa7: {  	[tilespmem:s26+$0x1C7B0] =	vst v9  }
0xa8: {  	[tilespmem:s26+$0x1C7C0] =	vst v10  }
0xa9: {  	[tilespmem:s26+$0x1C7D0] =	vst v11  }
0xaa: {  	[tilespmem:s26+$0x1C7E0] =	vst v12  }
0xab: {  	[tilespmem:s26+$0x1C7F0] =	vst v13  }
0xac: {  	[tilespmem:s26+$0x1C880] =	vst v14  }
0xad: {  	[tilespmem:s26+$0x1C890] =	vst v3  }
0xae: {  	[tilespmem:s26+$0x1C8A0] =	vst v4  }
0xaf: {  	[tilespmem:s26+$0x1C8B0] =	vst v5  }
0xb0: {  	[tilespmem:s26+$0x1C8C0] =	vst v6  }
0xb1: {  	[tilespmem:s26+$0x1C8D0] =	vst v7  }
0xb2: {  	s24 =	sadd.s32 $0x100, s24;
	[tilespmem:s26+$0x1C8E0] =	vst v0  }
0xb3: {  	v1 =	vld [tilespmem:s24+$0xFFFFFF10]  }
0xb4: {  	v2 =	vld [tilespmem:s24+$0xFFFFFF20]  }
0xb5: {  	v8 =	vld [tilespmem:s24+$0xFFFFFF30]  }
0xb6: {  	v9 =	vld [tilespmem:s24+$0xFFFFFF40]  }
0xb7: {  	v10 =	vld [tilespmem:s24+$0xFFFFFF50]  }
0xb8: {  	v11 =	vld [tilespmem:s24+$0xFFFFFF60]  }
0xb9: {  	v12 =	vld [tilespmem:s24+$0xFFFFFF70]  }
0xba: {  	v13 =	vld [tilespmem:s24+$0xFFFFFF80]  }
0xbb: {  	v14 =	vld [tilespmem:s24+$0xFFFFFF90]  }
0xbc: {  	v3 =	vld [tilespmem:s24+$0xFFFFFFA0]  }
0xbd: {  	v4 =	vld [tilespmem:s24+$0xFFFFFFB0]  }
0xbe: {  	v5 =	vld [tilespmem:s24+$0xFFFFFFC0]  }
0xbf: {  	v6 =	vld [tilespmem:s24+$0xFFFFFFD0]  }
.Ltmp2:
0xc0: {  	v7 =	vld [tilespmem:s24+$0xFFFFFFE0];
	(pc) =	sbr.rel @p0 .LBB2_7-.Ltmp2, $4  }
0xc1: {  	v0 =	vld [tilespmem:s24+$0xFFFFFFF0]  }
0xc2: {  	v15 =	vld [tilespmem:s24+$0x0]  }
0xc3: {  	v1 =	vld.idx.msk [tilespmem:v1+s6+$0x0], $0xffff  }
0xc4: {  	s25 =	sadd.s32 $0x800, s25;
	v2 =	vld.idx.msk [tilespmem:v2+s6+$0x0], $0xffff  }
0xc5: {  	_ =	sdelay $0x3  }
0xc6: {  	v8 =	vld.idx.msk [tilespmem:v8+s6+$0x0], $0xffff  }
0xc7: {  	v9 =	vld.idx.msk [tilespmem:v9+s6+$0x0], $0xffff  }
0xc8: {  	v10 =	vld.idx.msk [tilespmem:v10+s6+$0x0], $0xffff  }
0xc9: {  	v11 =	vld.idx.msk [tilespmem:v11+s6+$0x0], $0xffff  }
0xca: {  	v12 =	vld.idx.msk [tilespmem:v12+s6+$0x0], $0xffff  }
0xcb: {  	v13 =	vld.idx.msk [tilespmem:v13+s6+$0x0], $0xffff  }
0xcc: {  	v14 =	vld.idx.msk [tilespmem:v14+s6+$0x0], $0xffff  }
0xcd: {  	v3 =	vld.idx.msk [tilespmem:v3+s6+$0x0], $0xffff  }
0xce: {  	v4 =	vld.idx.msk [tilespmem:v4+s6+$0x0], $0xffff  }
0xcf: {  	v5 =	vld.idx.msk [tilespmem:v5+s6+$0x0], $0xffff  }
0xd0: {  	v6 =	vld.idx.msk [tilespmem:v6+s6+$0x0], $0xffff  }
0xd1: {  	v7 =	vld.idx.msk [tilespmem:v7+s6+$0x0], $0xffff  }
0xd2: {  	s25 =	sshra.s32 s23, $0x2;
	v0 =	vld.idx.msk [tilespmem:v0+s6+$0x0], $0xffff  }
0xd3: {  	v15 =	vld.idx.msk [tilespmem:v15+s6+$0x0], $0xffff;
	[tilespmem:s25+$0x1C780] =	vst v1  }
0xd4: {  	[tilespmem:s25+$0x1C790] =	vst v2  }
0xd5: {  	[tilespmem:s25+$0x1C7A0] =	vst v8  }
0xd6: {  	[tilespmem:s25+$0x1C7B0] =	vst v9  }
0xd7: {  	[tilespmem:s25+$0x1C7C0] =	vst v10  }
0xd8: {  	[tilespmem:s25+$0x1C7D0] =	vst v11  }
0xd9: {  	[tilespmem:s25+$0x1C7E0] =	vst v12  }
0xda: {  	[tilespmem:s25+$0x1C7F0] =	vst v13  }
0xdb: {  	[tilespmem:s25+$0x1C880] =	vst v14  }
0xdc: {  	[tilespmem:s25+$0x1C890] =	vst v3  }
0xdd: {  	[tilespmem:s25+$0x1C8A0] =	vst v4  }
0xde: {  	[tilespmem:s25+$0x1C8B0] =	vst v5  }
0xdf: {  	[tilespmem:s25+$0x1C8C0] =	vst v6  }
0xe0: {  	[tilespmem:s25+$0x1C8D0] =	vst v7  }
0xe1: {  	s23 =	sadd.s32 s22, s8;
	s24 =	simm.s32 $0x1C780;
	[tilespmem:s25+$0x1C8E0] =	vst v0  }
0xe2: {  	s26 =	simm.s32 $0x1C880;
	s28 =	sadd.s32 $0x0, s23;
	[tilespmem:s25+$0x1C8F0] =	vst v15;
	s25 =	simm.s32 $0x80  }
.LBB2_9:
0xe3: {  	[hbm4b:s28+s6] =	stream.linear.scatter [tilespmem:s24], [sflag:$0x2], $0x80, $0x38;
	[tilespmem:$0x1E700] =	vst v63  }
0xe4: {  	s28 =	smov.u32 s25;
	s24 =	smov.u32 s26;
	p0 =	sne.s32 s25, $0xF80  }
.Ltmp3:
0xe5: {  	s25 =	sadd.s32 $0x80, s25;
	(pc) =	sbr.rel @p0 .LBB2_9-.Ltmp3, $2  }
0xe6: {  	_ =	sdelay $0x2  }
0xe7: {  	s26 =	sadd.s32 $0x100, s26;
	s28 =	sadd.s32 s28, s23  }
0xe8: {  	[hbm4b:s28+s6] =	stream.linear.scatter [tilespmem:s24], [sflag:$0x2], $0x80, $0x38;
	[tilespmem:$0x1E700] =	vst v63  }
0xe9: {  	_ =	swait.ge [sflag:s16], $0x1000  }
0xea: {  	[sflag:s16] =	ssyncset.done $0x0  }
0xeb: {  	s23 =	simm.s32 $0x1A7F0;
	[sflag:s16] =	ssyncadd.s32 $0xFFFFF000  }
0xec: {  	v1 =	vld [tilespmem:s23+$0xFFFFFF10]  }
0xed: {  	v2 =	vld [tilespmem:s23+$0xFFFFFF20]  }
0xee: {  	v8 =	vld [tilespmem:s23+$0xFFFFFF30]  }
0xef: {  	v9 =	vld [tilespmem:s23+$0xFFFFFF40]  }
0xf0: {  	v10 =	vld [tilespmem:s23+$0xFFFFFF50]  }
0xf1: {  	v11 =	vld [tilespmem:s23+$0xFFFFFF60]  }
0xf2: {  	v12 =	vld [tilespmem:s23+$0xFFFFFF70]  }
0xf3: {  	v13 =	vld [tilespmem:s23+$0xFFFFFF80]  }
0xf4: {  	v14 =	vld [tilespmem:s23+$0xFFFFFF90]  }
0xf5: {  	v3 =	vld [tilespmem:s23+$0xFFFFFFA0]  }
0xf6: {  	v4 =	vld [tilespmem:s23+$0xFFFFFFB0]  }
0xf7: {  	v5 =	vld [tilespmem:s23+$0xFFFFFFC0]  }
0xf8: {  	v6 =	vld [tilespmem:s23+$0xFFFFFFD0]  }
0xf9: {  	v7 =	vld [tilespmem:s23+$0xFFFFFFE0]  }
0xfa: {  	v0 =	vld [tilespmem:s23+$0xFFFFFFF0]  }
0xfb: {  	v15 =	vld [tilespmem:s23+$0x0]  }
0xfc: {  	v1 =	vld.idx.msk [tilespmem:v1+s6+$0x0], $0xffff  }
0xfd: {  	s24 =	simm.s32 $0x0;
	s25 =	simm.s32 $0x800;
	v2 =	vld.idx.msk [tilespmem:v2+s6+$0x0], $0xffff  }
.LBB2_11:
0xfe: {  	p0 =	sne.s32 s25, $0x7800;
	v8 =	vld.idx.msk [tilespmem:v8+s6+$0x0], $0xffff  }
0xff: {  	v9 =	vld.idx.msk [tilespmem:v9+s6+$0x0], $0xffff  }
0x100: {  	v10 =	vld.idx.msk [tilespmem:v10+s6+$0x0], $0xffff  }
0x101: {  	v11 =	vld.idx.msk [tilespmem:v11+s6+$0x0], $0xffff  }
0x102: {  	v12 =	vld.idx.msk [tilespmem:v12+s6+$0x0], $0xffff  }
0x103: {  	v13 =	vld.idx.msk [tilespmem:v13+s6+$0x0], $0xffff  }
0x104: {  	v14 =	vld.idx.msk [tilespmem:v14+s6+$0x0], $0xffff  }
0x105: {  	v15 =	vld.idx.msk [tilespmem:v15+s6+$0x0], $0xffff  }
0x106: {  	v3 =	vld.idx.msk [tilespmem:v3+s6+$0x0], $0xffff  }
0x107: {  	v4 =	vld.idx.msk [tilespmem:v4+s6+$0x0], $0xffff  }
0x108: {  	v5 =	vld.idx.msk [tilespmem:v5+s6+$0x0], $0xffff  }
0x109: {  	v6 =	vld.idx.msk [tilespmem:v6+s6+$0x0], $0xffff  }
0x10a: {  	s26 =	sshra.s32 s24, $0x2;
	s24 =	smov.u32 s25;
	v7 =	vld.idx.msk [tilespmem:v7+s6+$0x0], $0xffff  }
0x10b: {  	v0 =	vld.idx.msk [tilespmem:v0+s6+$0x0], $0xffff;
	[tilespmem:s26+$0x1C870] =	vst v15  }
0x10c: {  	[tilespmem:s26+$0x1C700] =	vst v1  }
0x10d: {  	[tilespmem:s26+$0x1C710] =	vst v2  }
0x10e: {  	[tilespmem:s26+$0x1C720] =	vst v8  }
0x10f: {  	[tilespmem:s26+$0x1C730] =	vst v9  }
0x110: {  	[tilespmem:s26+$0x1C740] =	vst v10  }
0x111: {  	[tilespmem:s26+$0x1C750] =	vst v11  }
0x112: {  	[tilespmem:s26+$0x1C760] =	vst v12  }
0x113: {  	[tilespmem:s26+$0x1C770] =	vst v13  }
0x114: {  	[tilespmem:s26+$0x1C800] =	vst v14  }
0x115: {  	[tilespmem:s26+$0x1C810] =	vst v3  }
0x116: {  	[tilespmem:s26+$0x1C820] =	vst v4  }
0x117: {  	[tilespmem:s26+$0x1C830] =	vst v5  }
0x118: {  	[tilespmem:s26+$0x1C840] =	vst v6  }
0x119: {  	[tilespmem:s26+$0x1C850] =	vst v7  }
0x11a: {  	s23 =	sadd.s32 $0x100, s23;
	[tilespmem:s26+$0x1C860] =	vst v0  }
0x11b: {  	v1 =	vld [tilespmem:s23+$0xFFFFFF10]  }
0x11c: {  	v2 =	vld [tilespmem:s23+$0xFFFFFF20]  }
0x11d: {  	v8 =	vld [tilespmem:s23+$0xFFFFFF30]  }
0x11e: {  	v9 =	vld [tilespmem:s23+$0xFFFFFF40]  }
0x11f: {  	v10 =	vld [tilespmem:s23+$0xFFFFFF50]  }
0x120: {  	v11 =	vld [tilespmem:s23+$0xFFFFFF60]  }
0x121: {  	v12 =	vld [tilespmem:s23+$0xFFFFFF70]  }
0x122: {  	v13 =	vld [tilespmem:s23+$0xFFFFFF80]  }
0x123: {  	v14 =	vld [tilespmem:s23+$0xFFFFFF90]  }
0x124: {  	v3 =	vld [tilespmem:s23+$0xFFFFFFA0]  }
0x125: {  	v4 =	vld [tilespmem:s23+$0xFFFFFFB0]  }
0x126: {  	v5 =	vld [tilespmem:s23+$0xFFFFFFC0]  }
0x127: {  	v6 =	vld [tilespmem:s23+$0xFFFFFFD0]  }
.Ltmp4:
0x128: {  	v7 =	vld [tilespmem:s23+$0xFFFFFFE0];
	(pc) =	sbr.rel @p0 .LBB2_11-.Ltmp4, $4  }
0x129: {  	v0 =	vld [tilespmem:s23+$0xFFFFFFF0]  }
0x12a: {  	v15 =	vld [tilespmem:s23+$0x0]  }
0x12b: {  	v1 =	vld.idx.msk [tilespmem:v1+s6+$0x0], $0xffff  }
0x12c: {  	s25 =	sadd.s32 $0x800, s25;
	v2 =	vld.idx.msk [tilespmem:v2+s6+$0x0], $0xffff  }
0x12d: {  	_ =	sdelay $0x3  }
0x12e: {  	v8 =	vld.idx.msk [tilespmem:v8+s6+$0x0], $0xffff  }
0x12f: {  	v9 =	vld.idx.msk [tilespmem:v9+s6+$0x0], $0xffff  }
0x130: {  	v10 =	vld.idx.msk [tilespmem:v10+s6+$0x0], $0xffff  }
0x131: {  	v11 =	vld.idx.msk [tilespmem:v11+s6+$0x0], $0xffff  }
0x132: {  	v12 =	vld.idx.msk [tilespmem:v12+s6+$0x0], $0xffff  }
0x133: {  	v13 =	vld.idx.msk [tilespmem:v13+s6+$0x0], $0xffff  }
0x134: {  	v14 =	vld.idx.msk [tilespmem:v14+s6+$0x0], $0xffff  }
0x135: {  	v3 =	vld.idx.msk [tilespmem:v3+s6+$0x0], $0xffff  }
0x136: {  	v4 =	vld.idx.msk [tilespmem:v4+s6+$0x0], $0xffff  }
0x137: {  	v5 =	vld.idx.msk [tilespmem:v5+s6+$0x0], $0xffff  }
0x138: {  	v6 =	vld.idx.msk [tilespmem:v6+s6+$0x0], $0xffff  }
0x139: {  	v7 =	vld.idx.msk [tilespmem:v7+s6+$0x0], $0xffff  }
0x13a: {  	s25 =	sshra.s32 s24, $0x2;
	v0 =	vld.idx.msk [tilespmem:v0+s6+$0x0], $0xffff  }
0x13b: {  	v15 =	vld.idx.msk [tilespmem:v15+s6+$0x0], $0xffff;
	[tilespmem:s25+$0x1C700] =	vst v1  }
0x13c: {  	[tilespmem:s25+$0x1C710] =	vst v2  }
0x13d: {  	[tilespmem:s25+$0x1C720] =	vst v8  }
0x13e: {  	[tilespmem:s25+$0x1C730] =	vst v9  }
0x13f: {  	[tilespmem:s25+$0x1C740] =	vst v10  }
0x140: {  	[tilespmem:s25+$0x1C750] =	vst v11  }
0x141: {  	[tilespmem:s25+$0x1C760] =	vst v12  }
0x142: {  	[tilespmem:s25+$0x1C770] =	vst v13  }
0x143: {  	[tilespmem:s25+$0x1C800] =	vst v14  }
0x144: {  	[tilespmem:s25+$0x1C810] =	vst v3  }
0x145: {  	[tilespmem:s25+$0x1C820] =	vst v4  }
0x146: {  	[tilespmem:s25+$0x1C830] =	vst v5  }
0x147: {  	[tilespmem:s25+$0x1C840] =	vst v6  }
0x148: {  	[tilespmem:s25+$0x1C850] =	vst v7  }
0x149: {  	s23 =	sadd.s32 s22, s9;
	s24 =	simm.s32 $0x1C700;
	[tilespmem:s25+$0x1C860] =	vst v0  }
0x14a: {  	s26 =	simm.s32 $0x1C800;
	s28 =	sadd.s32 $0x0, s23;
	[tilespmem:s25+$0x1C870] =	vst v15;
	s25 =	simm.s32 $0x80  }
.LBB2_13:
0x14b: {  	[hbm4b:s28+s6] =	stream.linear.scatter [tilespmem:s24], [sflag:$0x1], $0x80, $0x38;
	[tilespmem:$0x1E700] =	vst v63  }
0x14c: {  	s28 =	smov.u32 s25;
	s24 =	smov.u32 s26;
	p0 =	sne.s32 s25, $0xF80  }
.Ltmp5:
0x14d: {  	s25 =	sadd.s32 $0x80, s25;
	(pc) =	sbr.rel @p0 .LBB2_13-.Ltmp5, $2  }
0x14e: {  	_ =	sdelay $0x2  }
0x14f: {  	s26 =	sadd.s32 $0x100, s26;
	s28 =	sadd.s32 s28, s23  }
0x150: {  	[hbm4b:s28+s6] =	stream.linear.scatter [tilespmem:s24], [sflag:$0x1], $0x80, $0x38;
	[tilespmem:$0x1E700] =	vst v63  }
0x151: {  	_ =	swait.ge [sflag:s17], $0x1000  }
0x152: {  	[sflag:s17] =	ssyncset.done $0x0  }
0x153: {  	s23 =	simm.s32 $0x1B7F0;
	[sflag:s17] =	ssyncadd.s32 $0xFFFFF000  }
0x154: {  	v1 =	vld [tilespmem:s23+$0xFFFFFF10]  }
0x155: {  	v2 =	vld [tilespmem:s23+$0xFFFFFF20]  }
0x156: {  	v8 =	vld [tilespmem:s23+$0xFFFFFF30]  }
0x157: {  	v9 =	vld [tilespmem:s23+$0xFFFFFF40]  }
0x158: {  	v10 =	vld [tilespmem:s23+$0xFFFFFF50]  }
0x159: {  	v11 =	vld [tilespmem:s23+$0xFFFFFF60]  }
0x15a: {  	v12 =	vld [tilespmem:s23+$0xFFFFFF70]  }
0x15b: {  	v13 =	vld [tilespmem:s23+$0xFFFFFF80]  }
0x15c: {  	v14 =	vld [tilespmem:s23+$0xFFFFFF90]  }
0x15d: {  	v3 =	vld [tilespmem:s23+$0xFFFFFFA0]  }
0x15e: {  	v4 =	vld [tilespmem:s23+$0xFFFFFFB0]  }
0x15f: {  	v5 =	vld [tilespmem:s23+$0xFFFFFFC0]  }
0x160: {  	v6 =	vld [tilespmem:s23+$0xFFFFFFD0]  }
0x161: {  	v7 =	vld [tilespmem:s23+$0xFFFFFFE0]  }
0x162: {  	v0 =	vld [tilespmem:s23+$0xFFFFFFF0]  }
0x163: {  	v15 =	vld [tilespmem:s23+$0x0]  }
0x164: {  	v1 =	vld.idx.msk [tilespmem:v1+s6+$0x0], $0xffff  }
0x165: {  	s24 =	simm.s32 $0x0;
	s25 =	simm.s32 $0x800;
	v2 =	vld.idx.msk [tilespmem:v2+s6+$0x0], $0xffff  }
.LBB2_15:
0x166: {  	p0 =	sne.s32 s25, $0x7800;
	v8 =	vld.idx.msk [tilespmem:v8+s6+$0x0], $0xffff  }
0x167: {  	v9 =	vld.idx.msk [tilespmem:v9+s6+$0x0], $0xffff  }
0x168: {  	v10 =	vld.idx.msk [tilespmem:v10+s6+$0x0], $0xffff  }
0x169: {  	v11 =	vld.idx.msk [tilespmem:v11+s6+$0x0], $0xffff  }
0x16a: {  	v12 =	vld.idx.msk [tilespmem:v12+s6+$0x0], $0xffff  }
0x16b: {  	v13 =	vld.idx.msk [tilespmem:v13+s6+$0x0], $0xffff  }
0x16c: {  	v14 =	vld.idx.msk [tilespmem:v14+s6+$0x0], $0xffff  }
0x16d: {  	v15 =	vld.idx.msk [tilespmem:v15+s6+$0x0], $0xffff  }
0x16e: {  	v3 =	vld.idx.msk [tilespmem:v3+s6+$0x0], $0xffff  }
0x16f: {  	v4 =	vld.idx.msk [tilespmem:v4+s6+$0x0], $0xffff  }
0x170: {  	v5 =	vld.idx.msk [tilespmem:v5+s6+$0x0], $0xffff  }
0x171: {  	v6 =	vld.idx.msk [tilespmem:v6+s6+$0x0], $0xffff  }
0x172: {  	s26 =	sshra.s32 s24, $0x2;
	s24 =	smov.u32 s25;
	v7 =	vld.idx.msk [tilespmem:v7+s6+$0x0], $0xffff  }
0x173: {  	v0 =	vld.idx.msk [tilespmem:v0+s6+$0x0], $0xffff;
	[tilespmem:s26+$0x1C8F0] =	vst v15  }
0x174: {  	[tilespmem:s26+$0x1C780] =	vst v1  }
0x175: {  	[tilespmem:s26+$0x1C790] =	vst v2  }
0x176: {  	[tilespmem:s26+$0x1C7A0] =	vst v8  }
0x177: {  	[tilespmem:s26+$0x1C7B0] =	vst v9  }
0x178: {  	[tilespmem:s26+$0x1C7C0] =	vst v10  }
0x179: {  	[tilespmem:s26+$0x1C7D0] =	vst v11  }
0x17a: {  	[tilespmem:s26+$0x1C7E0] =	vst v12  }
0x17b: {  	[tilespmem:s26+$0x1C7F0] =	vst v13  }
0x17c: {  	[tilespmem:s26+$0x1C880] =	vst v14  }
0x17d: {  	[tilespmem:s26+$0x1C890] =	vst v3  }
0x17e: {  	[tilespmem:s26+$0x1C8A0] =	vst v4  }
0x17f: {  	[tilespmem:s26+$0x1C8B0] =	vst v5  }
0x180: {  	[tilespmem:s26+$0x1C8C0] =	vst v6  }
0x181: {  	[tilespmem:s26+$0x1C8D0] =	vst v7  }
0x182: {  	s23 =	sadd.s32 $0x100, s23;
	[tilespmem:s26+$0x1C8E0] =	vst v0  }
0x183: {  	v1 =	vld [tilespmem:s23+$0xFFFFFF10]  }
0x184: {  	v2 =	vld [tilespmem:s23+$0xFFFFFF20]  }
0x185: {  	v8 =	vld [tilespmem:s23+$0xFFFFFF30]  }
0x186: {  	v9 =	vld [tilespmem:s23+$0xFFFFFF40]  }
0x187: {  	v10 =	vld [tilespmem:s23+$0xFFFFFF50]  }
0x188: {  	v11 =	vld [tilespmem:s23+$0xFFFFFF60]  }
0x189: {  	v12 =	vld [tilespmem:s23+$0xFFFFFF70]  }
0x18a: {  	v13 =	vld [tilespmem:s23+$0xFFFFFF80]  }
0x18b: {  	v14 =	vld [tilespmem:s23+$0xFFFFFF90]  }
0x18c: {  	v3 =	vld [tilespmem:s23+$0xFFFFFFA0]  }
0x18d: {  	v4 =	vld [tilespmem:s23+$0xFFFFFFB0]  }
0x18e: {  	v5 =	vld [tilespmem:s23+$0xFFFFFFC0]  }
0x18f: {  	v6 =	vld [tilespmem:s23+$0xFFFFFFD0]  }
.Ltmp6:
0x190: {  	v7 =	vld [tilespmem:s23+$0xFFFFFFE0];
	(pc) =	sbr.rel @p0 .LBB2_15-.Ltmp6, $4  }
0x191: {  	v0 =	vld [tilespmem:s23+$0xFFFFFFF0]  }
0x192: {  	v15 =	vld [tilespmem:s23+$0x0]  }
0x193: {  	v1 =	vld.idx.msk [tilespmem:v1+s6+$0x0], $0xffff  }
0x194: {  	s25 =	sadd.s32 $0x800, s25;
	v2 =	vld.idx.msk [tilespmem:v2+s6+$0x0], $0xffff  }
0x195: {  	_ =	sdelay $0x3  }
0x196: {  	v8 =	vld.idx.msk [tilespmem:v8+s6+$0x0], $0xffff  }
0x197: {  	v9 =	vld.idx.msk [tilespmem:v9+s6+$0x0], $0xffff  }
0x198: {  	v10 =	vld.idx.msk [tilespmem:v10+s6+$0x0], $0xffff  }
0x199: {  	v11 =	vld.idx.msk [tilespmem:v11+s6+$0x0], $0xffff  }
0x19a: {  	v12 =	vld.idx.msk [tilespmem:v12+s6+$0x0], $0xffff  }
0x19b: {  	v13 =	vld.idx.msk [tilespmem:v13+s6+$0x0], $0xffff  }
0x19c: {  	v14 =	vld.idx.msk [tilespmem:v14+s6+$0x0], $0xffff  }
0x19d: {  	v3 =	vld.idx.msk [tilespmem:v3+s6+$0x0], $0xffff  }
0x19e: {  	v4 =	vld.idx.msk [tilespmem:v4+s6+$0x0], $0xffff  }
0x19f: {  	v5 =	vld.idx.msk [tilespmem:v5+s6+$0x0], $0xffff  }
0x1a0: {  	v6 =	vld.idx.msk [tilespmem:v6+s6+$0x0], $0xffff  }
0x1a1: {  	v7 =	vld.idx.msk [tilespmem:v7+s6+$0x0], $0xffff  }
0x1a2: {  	s24 =	sshra.s32 s24, $0x2;
	v0 =	vld.idx.msk [tilespmem:v0+s6+$0x0], $0xffff  }
0x1a3: {  	v15 =	vld.idx.msk [tilespmem:v15+s6+$0x0], $0xffff;
	[tilespmem:s24+$0x1C780] =	vst v1  }
0x1a4: {  	[tilespmem:s24+$0x1C790] =	vst v2  }
0x1a5: {  	[tilespmem:s24+$0x1C7A0] =	vst v8  }
0x1a6: {  	[tilespmem:s24+$0x1C7B0] =	vst v9  }
0x1a7: {  	[tilespmem:s24+$0x1C7C0] =	vst v10  }
0x1a8: {  	[tilespmem:s24+$0x1C7D0] =	vst v11  }
0x1a9: {  	[tilespmem:s24+$0x1C7E0] =	vst v12  }
0x1aa: {  	[tilespmem:s24+$0x1C7F0] =	vst v13  }
0x1ab: {  	[tilespmem:s24+$0x1C880] =	vst v14  }
0x1ac: {  	[tilespmem:s24+$0x1C890] =	vst v3  }
0x1ad: {  	[tilespmem:s24+$0x1C8A0] =	vst v4  }
0x1ae: {  	[tilespmem:s24+$0x1C8B0] =	vst v5  }
0x1af: {  	[tilespmem:s24+$0x1C8C0] =	vst v6  }
0x1b0: {  	[tilespmem:s24+$0x1C8D0] =	vst v7  }
0x1b1: {  	s22 =	sadd.s32 s22, s10;
	s23 =	simm.s32 $0x1C780;
	[tilespmem:s24+$0x1C8E0] =	vst v0  }
0x1b2: {  	s25 =	simm.s32 $0x1C880;
	s26 =	sadd.s32 $0x0, s22;
	[tilespmem:s24+$0x1C8F0] =	vst v15;
	s24 =	simm.s32 $0x80  }
.LBB2_17:
0x1b3: {  	[hbm4b:s26+s6] =	stream.linear.scatter [tilespmem:s23], [sflag:$0x2], $0x80, $0x38;
	[tilespmem:$0x1E700] =	vst v63  }
0x1b4: {  	s26 =	smov.u32 s24;
	s23 =	smov.u32 s25;
	p0 =	sne.s32 s24, $0xF80  }
.Ltmp7:
0x1b5: {  	s24 =	sadd.s32 $0x80, s24;
	(pc) =	sbr.rel @p0 .LBB2_17-.Ltmp7, $2  }
0x1b6: {  	_ =	sdelay $0x2  }
0x1b7: {  	s25 =	sadd.s32 $0x100, s25;
	s26 =	sadd.s32 s26, s22  }
0x1b8: {  	[hbm4b:s26+s6] =	stream.linear.scatter [tilespmem:s23], [sflag:$0x2], $0x80, $0x38;
	[tilespmem:$0x1E700] =	vst v63  }
0x1b9: {  	s21 =	sadd.s32 $0x1, s21  }
0x1ba: {  	p0 =	sge.u32 s21, s11  }
0x1bb: {  	s22 =	sshrl.u32 @!p0 s21, $0x3  }
0x1bc: {  	s21 =	sshll.u32 @!p0 s21, $0x7;
	s22 =	smul.u32 @!p0 $0xC3800, s22  }
0x1bd: {  	s21 =	sand.u32 @!p0 $0x380, s21  }
0x1be: {  	s21 =	sor.u32 @!p0 s21, s22  }
0x1bf: {  	s19 =	sadd.s32 $0x1, s19;
	s23 =	simm.s32 @!p0 $0x400;
	s21 =	sshrl.u32 @!p0 s21, $0x3  }
0x1c0: {  	s24 =	simm.s32 @!p0 $0x0;
	s22 =	simm.s32 @!p0 $0x80;
	s21 =	sadd.s32 @!p0 s2, s21  }
0x1c1: {  	[tilespmem:s24], [sflag:$0x3] =	stream.strided.gather @!p0 [hbm4b:s21+s22], $0x18700, s23, s22, $0x38;
	[tilespmem:$0x1E700] =	vst v63  }
0x1c2: {  	p0 =	sne.s32 s19, $0x34;
	_ =	swait.ge [sflag:s16], $0x1000  }
.Ltmp8:
0x1c3: {  	[sflag:s16] =	ssyncset.done $0x0;
	(pc) =	sbr.rel @p0 .LBB2_2-.Ltmp8, $4  }
0x1c4: {  	[sflag:s16] =	ssyncadd.s32 $0xFFFFF000  }
0x1c5: {  	_ =	swait.ge [sflag:s17], $0x1000  }
0x1c6: {  	[sflag:s17] =	ssyncset.done $0x0  }
0x1c7: {  	[sflag:s17] =	ssyncadd.s32 $0xFFFFF000  }
0x1c8: {  	s18 =	sadd.s32 $0x1, s18  }
0x1c9: {  	p0 =	sne.s32 s18, s12  }
.Ltmp9:
0x1ca: {  	_ = 	snop;
	(pc) =	sbr.rel @p0 .LBB2_1-.Ltmp9, $1  }
0x1cb: {  	_ =	sdelay $0x3  }
0x1cc: {  	_ =	sfence.sel $0x180000  }
0x1cd: {  	[bflag:$0x0] =	sbarrier.arrive $0xFFFF  }
0x1ce: {  	p0 =	sne.s32 s0, $0x0;
	_ =	strace $0x90000047  }
0x1cf: {  	s0 =	sadd.s32 @!p0 $0x100000, s1;
	[bflag:$0x2] =	sbarrier.arrive $0xFFFF  }
0x1d0: {  	[sflag:s0] =	ssyncadd.tile.s32 @!p0 $0x1;
	_ =	shalt  }
.Lfunc_end2:
_tile_overlayer_lowered:
.L_overlay_start_2:
0x1d1: {  	(tag) =	ssettag $0x2  }
0x1d2: {  	s0 =	rddreg [dreg:$0x0];
	s2 =	stileid.u32  }
0x1d3: {  	s1 =	rddreg [dreg:$0x1];
	p0 =	sne.s32 s2, $0x0  }
0x1d4: {  	s3 =	rddreg [dreg:$0x2];
	[bflag:$0x3] =	sbarrier.arrive $0xFFFF;
	s2 =	simm.s32 @!p0 $0x1C04  }
0x1d5: {  	[timem:s3], [sflag:s2] =	dma.local @!p0 [hbm:s0], s1  }
0x1d6: {  	s0 =	simm.s32 @!p0 $0x4  }
0x1d7: {  	_ =	swait.ge @!p0 [sflag:s0], s1  }
0x1d8: {  	s1 =	ssub.s32 @!p0 $0x0, s1;
	[sflag:s0] =	ssyncset.done @!p0 $0x0  }
0x1d9: {  	[sflag:s0] =	ssyncadd.s32 @!p0 s1  }
0x1da: {  	[bflag:$0x3] =	sbarrier.arrive $0xFFFF  }
0x1db: {  	_ =	shalt  }

</sc_bundles>
